<compile_context>
chip_gen: v7x
topology: tpu7x:2x2x1
jax: 0.10.2.dev20260603
libtpu: 0.0.44.dev20260713+nightly
codegen_flags: <defaults>
</compile_context>

<pallas_src>
import functools

import jax
import jax.numpy as jnp
from jax import lax
from jax.experimental import pallas as pl
from jax.experimental.pallas import tpu as pltpu
from jax.experimental.pallas import tpu_sc as plsc

N_MOV = 10000
N_PHASE = 10000
E = 320000
D = 128
H = 128

NC = 2
NS = 16
EPT = E // (NC * NS)
K = 80
NCH = EPT // K
ACC = 10240
RPT = ACC // NS
ZR = 16
CW = 128

_ROW_BLK = 2000


def _mlp3_body(x_ref, w1, b1, w2, b2, w3, b3, o_ref):
    h = jnp.dot(x_ref[...], w1[...], preferred_element_type=jnp.float32)
    h = jnp.maximum(h + b1[...], 0.0)
    h = jnp.dot(h, w2[...], preferred_element_type=jnp.float32)
    h = jnp.maximum(h + b2[...], 0.0)
    h = jnp.dot(h, w3[...], preferred_element_type=jnp.float32)
    h = jnp.maximum(h + b3[...], 0.0)
    o_ref[...] = h


def _mlp3(x, W1, b1, W2, b2, W3, b3):
    nblk = N_MOV // _ROW_BLK
    full = lambda shape: pl.BlockSpec(shape, lambda i: (0, 0))
    return pl.pallas_call(
        _mlp3_body,
        grid=(nblk,),
        in_specs=[
            pl.BlockSpec((_ROW_BLK, D), lambda i: (i, 0)),
            full((D, H)), full((1, H)),
            full((H, H)), full((1, H)),
            full((H, H)), full((1, H)),
        ],
        out_specs=pl.BlockSpec((_ROW_BLK, H), lambda i: (i, 0)),
        out_shape=jax.ShapeDtypeStruct((N_MOV, H), jnp.float32),
    )(x, W1, b1, W2, b2, W3, b3)


def _sum_body(h_hbm, src_hbm, dst_hbm, sums_hbm,
              src_v, dst_v, cdst_v, rows0_v, rows1_v, zacc_v, acc_sh,
              gsem0, gsem1):
    cid = lax.axis_index("c")
    sid = lax.axis_index("s")
    w = cid * NS + sid

    def _fill_zacc(t, carry):
        zacc_v[t // 8, pl.ds((t % 8) * 16, 16)] = jnp.zeros((16,), jnp.float32)
        return carry
    lax.fori_loop(0, ZR * 8, _fill_zacc, 0)

    r0 = sid * RPT

    def _zero(t, carry):
        pltpu.sync_copy(zacc_v, acc_sh.at[pl.ds(r0 + t * ZR, ZR)])
        return carry
    lax.fori_loop(0, RPT // ZR, _zero, 0)

    pltpu.sync_copy(src_hbm.at[w], src_v)
    pltpu.sync_copy(dst_hbm.at[w], dst_v)

    plsc.subcore_barrier()

    def _issue(j, buf, sem):
        pltpu.async_copy(h_hbm.at[src_v.at[pl.ds(j * K, K)]], buf, sem)

    def _wait(j, buf, sem):
        pltpu.make_async_copy(
            h_hbm.at[src_v.at[pl.ds(j * K, K)]], buf, sem).wait()

    def _scat(j, buf):
        for l in range(K // 16):
            cdst_v[0, pl.ds(l * 16, 16)] = dst_v[pl.ds(j * K + l * 16, 16)]
        pltpu.sync_copy(buf, acc_sh.at[cdst_v.at[0]], add=True)

    _issue(0, rows0_v, gsem0)

    def _pair(p, carry):
        j0 = 2 * p
        _issue(j0 + 1, rows1_v, gsem1)
        _wait(j0, rows0_v, gsem0)
        _scat(j0, rows0_v)
        _issue(j0 + 2, rows0_v, gsem0)
        _wait(j0 + 1, rows1_v, gsem1)
        _scat(j0 + 1, rows1_v)
        return carry
    lax.fori_loop(0, NCH // 2, _pair, 0)

    _wait(NCH - 1, rows0_v, gsem0)
    _scat(NCH - 1, rows0_v)

    plsc.subcore_barrier()

    g0 = cid * ACC + r0
    pltpu.sync_copy(acc_sh.at[pl.ds(r0, RPT)], sums_hbm.at[pl.ds(g0, RPT)])


@functools.partial(
    pl.kernel,
    out_type=[jax.ShapeDtypeStruct((NC * ACC, D), jnp.float32)],
    mesh=plsc.VectorSubcoreMesh(
        core_axis_name="c", subcore_axis_name="s",
        num_cores=NC, num_subcores=NS),
    scratch_types=[
        pltpu.VMEM((EPT,), jnp.int32),
        pltpu.VMEM((EPT,), jnp.int32),
        pltpu.VMEM((1, K), jnp.int32),
        pltpu.VMEM((K, D), jnp.float32),
        pltpu.VMEM((K, D), jnp.float32),
        pltpu.VMEM((ZR, D), jnp.float32),
        pltpu.VMEM_SHARED((ACC, D), jnp.float32),
        pltpu.SemaphoreType.DMA,
        pltpu.SemaphoreType.DMA,
    ],
)
def _agg_sums(h_hbm, src_hbm, dst_hbm, sums_hbm, *scratch):
    _sum_body(h_hbm, src_hbm, dst_hbm, sums_hbm, *scratch)


def _cnt_body(dst_hbm, cnts_hbm, dst_v, cdst_v, ones_v, zcnt_v, cnt_sh):
    cid = lax.axis_index("c")
    sid = lax.axis_index("s")
    w = cid * NS + sid

    cp = CW // 16

    def _fill_ones(t, carry):
        ones_v[t // cp, pl.ds((t % cp) * 16, 16)] = jnp.ones((16,), jnp.float32)
        return carry
    lax.fori_loop(0, K * cp, _fill_ones, 0)

    def _fill_zcnt(t, carry):
        zcnt_v[t // cp, pl.ds((t % cp) * 16, 16)] = jnp.zeros((16,), jnp.float32)
        return carry
    lax.fori_loop(0, ZR * cp, _fill_zcnt, 0)

    r0 = sid * RPT

    def _zero(t, carry):
        pltpu.sync_copy(zcnt_v, cnt_sh.at[pl.ds(r0 + t * ZR, ZR)])
        return carry
    lax.fori_loop(0, RPT // ZR, _zero, 0)

    pltpu.sync_copy(dst_hbm.at[w], dst_v)

    plsc.subcore_barrier()

    def _step(j, carry):
        for l in range(K // 16):
            cdst_v[0, pl.ds(l * 16, 16)] = dst_v[pl.ds(j * K + l * 16, 16)]
        pltpu.sync_copy(ones_v, cnt_sh.at[cdst_v.at[0]], add=True)
        return carry
    lax.fori_loop(0, NCH, _step, 0)

    plsc.subcore_barrier()

    g0 = cid * ACC + r0
    pltpu.sync_copy(cnt_sh.at[pl.ds(r0, RPT)], cnts_hbm.at[pl.ds(g0, RPT)])


@functools.partial(
    pl.kernel,
    out_type=[jax.ShapeDtypeStruct((NC * ACC, CW), jnp.float32)],
    mesh=plsc.VectorSubcoreMesh(
        core_axis_name="c", subcore_axis_name="s",
        num_cores=NC, num_subcores=NS),
    scratch_types=[
        pltpu.VMEM((EPT,), jnp.int32),
        pltpu.VMEM((1, K), jnp.int32),
        pltpu.VMEM((K, CW), jnp.float32),
        pltpu.VMEM((ZR, CW), jnp.float32),
        pltpu.VMEM_SHARED((ACC, CW), jnp.float32),
    ],
)
def _agg_cnts(dst_hbm, cnts_hbm, *scratch):
    _cnt_body(dst_hbm, cnts_hbm, *scratch)


def _mlp2_body(s0_ref, s1_ref, c0_ref, c1_ref, w4, b4, w5, b5, w6, b6, o_ref):
    s = s0_ref[0] + s1_ref[0]
    c = c0_ref[0] + c1_ref[0]
    cnt = jnp.max(c, axis=1, keepdims=True)
    agg = s / jnp.maximum(cnt, 1.0)
    g = jnp.dot(agg, w4[...], preferred_element_type=jnp.float32)
    g = jnp.maximum(g + b4[...], 0.0)
    g = jnp.dot(g, w5[...], preferred_element_type=jnp.float32)
    g = jnp.maximum(g + b5[...], 0.0)
    o_ref[...] = jnp.dot(g, w6[...], preferred_element_type=jnp.float32) + b6[...]


def _mlp2(sums, cnts, W4, b4, W5, b5, W6, b6):
    nblk = N_PHASE // _ROW_BLK
    full = lambda shape: pl.BlockSpec(shape, lambda i: (0, 0))
    return pl.pallas_call(
        _mlp2_body,
        grid=(nblk,),
        in_specs=[
            pl.BlockSpec((1, _ROW_BLK, D), lambda i: (0, i, 0)),
            pl.BlockSpec((1, _ROW_BLK, D), lambda i: (1, i, 0)),
            pl.BlockSpec((1, _ROW_BLK, CW), lambda i: (0, i, 0)),
            pl.BlockSpec((1, _ROW_BLK, CW), lambda i: (1, i, 0)),
            full((H, H)), full((1, H)),
            full((H, H)), full((1, H)),
            full((H, 1)), full((1, 1)),
        ],
        out_specs=pl.BlockSpec((_ROW_BLK, 1), lambda i: (i, 0)),
        out_shape=jax.ShapeDtypeStruct((N_PHASE, 1), jnp.float32),
    )(sums, sums, cnts, cnts, W4, b4, W5, b5, W6, b6)


def _unwrap(res):
    return res[0] if isinstance(res, (list, tuple)) else res


def kernel(x, edge_index, W1, b1, W2, b2, W3, b3, W4, b4, W5, b5, W6, b6):
    h = _mlp3(x, W1, b1.reshape(1, H), W2, b2.reshape(1, H),
              W3, b3.reshape(1, H))
    src = edge_index[0].reshape(NC * NS, EPT)
    dst = edge_index[1].reshape(NC * NS, EPT)
    sums = _unwrap(_agg_sums(h, src, dst)).reshape(NC, ACC, D)
    cnts = _unwrap(_agg_cnts(dst)).reshape(NC, ACC, CW)
    out = _mlp2(sums, cnts, W4, b4.reshape(1, H), W5, b5.reshape(1, H),
                W6, b6.reshape(1, 1))
    return out[:, 0]

# --- scband reference (transcript-rebuilt; emitter-appended) ---
"""Pipeline reference for scband-graph-actor-network-87376814670209 (READ-ONLY COPY).

The authoritative reference and input builder live on the scoring server;
editing this copy changes nothing except your own understanding.
"""

import jax, jax.numpy as jnp
import numpy as np

N_MOV = 10000
N_PHASE = 10000
E = 320000
D = 128
H = 128

def _lin(k, fi, fo):
    return jax.random.normal(k, (fi, fo), dtype=jnp.float32) * (1.0 / np.sqrt(fi))

def setup_inputs(seed: int = 0):
    key = jax.random.key(seed)
    ks = jax.random.split(key, 8)
    x = jax.random.normal(ks[0], (N_MOV, D), dtype=jnp.float32)
    edge_index = jax.random.randint(ks[1], (2, E), 0, N_PHASE, dtype=jnp.int32)
    W1 = _lin(ks[2], D, H); b1 = jnp.full((H,), 0.01, jnp.float32)
    W2 = _lin(ks[3], H, H); b2 = jnp.full((H,), 0.01, jnp.float32)
    W3 = _lin(ks[4], H, H); b3 = jnp.full((H,), 0.01, jnp.float32)
    W4 = _lin(ks[5], H, H); b4 = jnp.full((H,), 0.01, jnp.float32)
    W5 = _lin(ks[6], H, H); b5 = jnp.full((H,), 0.01, jnp.float32)
    W6 = _lin(ks[7], H, 1); b6 = jnp.full((1,), 0.01, jnp.float32)
    return {"x": x, "edge_index": edge_index,
            "W1": W1, "b1": b1, "W2": W2, "b2": b2, "W3": W3, "b3": b3,
            "W4": W4, "b4": b4, "W5": W5, "b5": b5, "W6": W6, "b6": b6}

def reference(x, edge_index, W1, b1, W2, b2, W3, b3, W4, b4, W5, b5, W6, b6):
    # movement embedding MLP (3 layers, ReLU)
    h = jax.nn.relu(x @ W1 + b1)
    h = jax.nn.relu(h @ W2 + b2)
    h = jax.nn.relu(h @ W3 + b3)
    # NodeAggregation(aggr_fn='mean'): mean of source-movement embeddings per dst phase
    src = edge_index[0]
    dst = edge_index[1]
    msg = jnp.take(h, src, axis=0)
    sums = jax.ops.segment_sum(msg, dst, num_segments=N_PHASE)
    cnt = jax.ops.segment_sum(jnp.ones((E,), jnp.float32), dst, num_segments=N_PHASE)
    agg = sums / jnp.clip(cnt, 1.0)[:, None]
    # phase embedding MLP -> scalar logit per phase, then squeeze
    g = jax.nn.relu(agg @ W4 + b4)
    g = jax.nn.relu(g @ W5 + b5)
    logits = (g @ W6 + b6).squeeze(-1)
    return logits

if __name__ == "__main__":
    import jax
    _d = setup_inputs()
    print(jax.jit(kernel)(*tuple(_d.values())))

</pallas_src>

<mosaic_0001>
#map = affine_map<(d0, d1) -> (0, 0)>
module attributes {stable_mosaic.version = 14 : i64} {
  func.func @_agg_cnts(%arg0: i32, %arg1: i32, %arg2: memref<32x10000xi32, #tpu.memory_space<hbm>>, %arg3: memref<20480x128xf32, #tpu.memory_space<hbm>>, %arg4: memref<10000xi32, #tpu.memory_space<vmem>>, %arg5: memref<1x80xi32, #tpu.memory_space<vmem>>, %arg6: memref<80x128xf32, #tpu.memory_space<vmem>>, %arg7: memref<16x128xf32, #tpu.memory_space<vmem>>, %arg8: memref<10240x128xf32, #tpu.memory_space<vmem_shared>>) attributes {dimension_semantics = [#tpu.dimension_semantics<core_parallel>, #tpu.dimension_semantics<subcore_parallel>], iteration_bounds = array<i64: 2, 16>, scalar_prefetch = 0 : i64, scratch_operands = 5 : i64, tpu.core_type = #tpu.core_type<sc_vector_subcore>, window_params = [{transform_indices = #map}, {transform_indices = #map}]} {
    %mul3A = arith.constant 16 : i32
    %mul3A_0 = arith.muli %arg0, %mul3A : i32
    %add3A = arith.addi %mul3A_0, %arg1 : i32
    %scan3A = arith.constant 0 : i32
    %scan3A_1 = arith.constant 0 : i32
    %scan3A_2 = arith.constant 640 : i32
    %scan3A_3 = arith.addi %scan3A_1, %scan3A_2 : i32
    %scan3A_4 = arith.constant 1 : i32
    scf.for %scan3A_30 = %scan3A_1 to %scan3A_3 step %scan3A_4  : i32 {
      %broadcast_in_dim3A = arith.constant 1.000000e+00 : f32
      %broadcast_in_dim3A_31 = vector.broadcast %broadcast_in_dim3A : f32 to vector<16xf32>
      %jit3A = arith.constant 8 : i32
      %div3A = arith.divsi %scan3A_30, %jit3A : i32
      %sign3A = arith.constant 0 : i32
      %sign3A_32 = arith.cmpi sgt, %scan3A_30, %sign3A : i32
      %sign3A_33 = arith.extui %sign3A_32 : i1 to i32
      %sign3A_34 = arith.constant 0 : i32
      %sign3A_35 = arith.cmpi slt, %scan3A_30, %sign3A_34 : i32
      %sign3A_36 = arith.extui %sign3A_35 : i1 to i32
      %sign3A_37 = arith.subi %sign3A_33, %sign3A_36 : i32
      %sign3A_38 = arith.constant 0 : i32
      %sign3A_39 = arith.cmpi sgt, %jit3A, %sign3A_38 : i32
      %sign3A_40 = arith.extui %sign3A_39 : i1 to i32
      %sign3A_41 = arith.constant 0 : i32
      %sign3A_42 = arith.cmpi slt, %jit3A, %sign3A_41 : i32
      %sign3A_43 = arith.extui %sign3A_42 : i1 to i32
      %sign3A_44 = arith.subi %sign3A_40, %sign3A_43 : i32
      %ne3A = arith.cmpi ne, %sign3A_37, %sign3A_44 : i32
      %rem3A = arith.remsi %scan3A_30, %jit3A : i32
      %ne3A_45 = arith.constant 0 : i32
      %ne3A_46 = arith.cmpi ne, %rem3A, %ne3A_45 : i32
      %and3A = arith.andi %ne3A, %ne3A_46 : i1
      %sub3A = arith.constant 1 : i32
      %sub3A_47 = arith.subi %div3A, %sub3A : i32
      %select_n3A = arith.select %and3A, %sub3A_47, %div3A : i32
      %jit3A_48 = arith.constant 8 : i32
      %eq3A = arith.constant 0 : i32
      %eq3A_49 = arith.cmpi eq, %jit3A_48, %eq3A : i32
      %jit3A_50 = arith.constant 1 : i32
      %select_n3A_51 = arith.select %eq3A_49, %jit3A_50, %jit3A_48 : i32
      %rem3A_52 = arith.remsi %scan3A_30, %select_n3A_51 : i32
      %ne3A_53 = arith.constant 0 : i32
      %ne3A_54 = arith.cmpi ne, %rem3A_52, %ne3A_53 : i32
      %lt3A = arith.constant 0 : i32
      %lt3A_55 = arith.cmpi slt, %rem3A_52, %lt3A : i32
      %lt3A_56 = arith.constant 0 : i32
      %lt3A_57 = arith.cmpi slt, %select_n3A_51, %lt3A_56 : i32
      %ne3A_58 = arith.xori %lt3A_55, %lt3A_57 : i1
      %and3A_59 = arith.andi %ne3A_58, %ne3A_54 : i1
      %add3A_60 = arith.addi %rem3A_52, %select_n3A_51 : i32
      %select_n3A_61 = arith.select %and3A_59, %add3A_60, %rem3A_52 : i32
      %mul3A_62 = arith.constant 16 : i32
      %mul3A_63 = arith.muli %select_n3A_61, %mul3A_62 : i32
      %swap3A = arith.index_cast %select_n3A : i32 to index
      %swap3A_64 = arith.index_cast %mul3A_63 : i32 to index
      %swap3A_65 = tpu.vector_load %arg6[%swap3A, %swap3A_64] {strides = array<i32>} : memref<80x128xf32, #tpu.memory_space<vmem>>, vector<1x16xf32>,
      %swap3A_66 = vector.shape_cast %swap3A_65 : vector<1x16xf32> to vector<16xf32>
      %swap3A_67 = vector.shape_cast %broadcast_in_dim3A_31 : vector<16xf32> to vector<1x16xf32>
      tpu.vector_store %arg6[%swap3A, %swap3A_64], %swap3A_67 {strides = array<i32>} : memref<80x128xf32, #tpu.memory_space<vmem>>, vector<1x16xf32>,
    }
    %scan3A_5 = arith.constant 640 : i32
    %scan3A_6 = arith.constant 0 : i32
    %scan3A_7 = arith.constant 0 : i32
    %scan3A_8 = arith.constant 128 : i32
    %scan3A_9 = arith.addi %scan3A_7, %scan3A_8 : i32
    %scan3A_10 = arith.constant 1 : i32
    scf.for %scan3A_30 = %scan3A_7 to %scan3A_9 step %scan3A_10  : i32 {
      %broadcast_in_dim3A = arith.constant 0.000000e+00 : f32
      %broadcast_in_dim3A_31 = vector.broadcast %broadcast_in_dim3A : f32 to vector<16xf32>
      %jit3A = arith.constant 8 : i32
      %div3A = arith.divsi %scan3A_30, %jit3A : i32
      %sign3A = arith.constant 0 : i32
      %sign3A_32 = arith.cmpi sgt, %scan3A_30, %sign3A : i32
      %sign3A_33 = arith.extui %sign3A_32 : i1 to i32
      %sign3A_34 = arith.constant 0 : i32
      %sign3A_35 = arith.cmpi slt, %scan3A_30, %sign3A_34 : i32
      %sign3A_36 = arith.extui %sign3A_35 : i1 to i32
      %sign3A_37 = arith.subi %sign3A_33, %sign3A_36 : i32
      %sign3A_38 = arith.constant 0 : i32
      %sign3A_39 = arith.cmpi sgt, %jit3A, %sign3A_38 : i32
      %sign3A_40 = arith.extui %sign3A_39 : i1 to i32
      %sign3A_41 = arith.constant 0 : i32
      %sign3A_42 = arith.cmpi slt, %jit3A, %sign3A_41 : i32
      %sign3A_43 = arith.extui %sign3A_42 : i1 to i32
      %sign3A_44 = arith.subi %sign3A_40, %sign3A_43 : i32
      %ne3A = arith.cmpi ne, %sign3A_37, %sign3A_44 : i32
      %rem3A = arith.remsi %scan3A_30, %jit3A : i32
      %ne3A_45 = arith.constant 0 : i32
      %ne3A_46 = arith.cmpi ne, %rem3A, %ne3A_45 : i32
      %and3A = arith.andi %ne3A, %ne3A_46 : i1
      %sub3A = arith.constant 1 : i32
      %sub3A_47 = arith.subi %div3A, %sub3A : i32
      %select_n3A = arith.select %and3A, %sub3A_47, %div3A : i32
      %jit3A_48 = arith.constant 8 : i32
      %eq3A = arith.constant 0 : i32
      %eq3A_49 = arith.cmpi eq, %jit3A_48, %eq3A : i32
      %jit3A_50 = arith.constant 1 : i32
      %select_n3A_51 = arith.select %eq3A_49, %jit3A_50, %jit3A_48 : i32
      %rem3A_52 = arith.remsi %scan3A_30, %select_n3A_51 : i32
      %ne3A_53 = arith.constant 0 : i32
      %ne3A_54 = arith.cmpi ne, %rem3A_52, %ne3A_53 : i32
      %lt3A = arith.constant 0 : i32
      %lt3A_55 = arith.cmpi slt, %rem3A_52, %lt3A : i32
      %lt3A_56 = arith.constant 0 : i32
      %lt3A_57 = arith.cmpi slt, %select_n3A_51, %lt3A_56 : i32
      %ne3A_58 = arith.xori %lt3A_55, %lt3A_57 : i1
      %and3A_59 = arith.andi %ne3A_58, %ne3A_54 : i1
      %add3A_60 = arith.addi %rem3A_52, %select_n3A_51 : i32
      %select_n3A_61 = arith.select %and3A_59, %add3A_60, %rem3A_52 : i32
      %mul3A_62 = arith.constant 16 : i32
      %mul3A_63 = arith.muli %select_n3A_61, %mul3A_62 : i32
      %swap3A = arith.index_cast %select_n3A : i32 to index
      %swap3A_64 = arith.index_cast %mul3A_63 : i32 to index
      %swap3A_65 = tpu.vector_load %arg7[%swap3A, %swap3A_64] {strides = array<i32>} : memref<16x128xf32, #tpu.memory_space<vmem>>, vector<1x16xf32>,
      %swap3A_66 = vector.shape_cast %swap3A_65 : vector<1x16xf32> to vector<16xf32>
      %swap3A_67 = vector.shape_cast %broadcast_in_dim3A_31 : vector<16xf32> to vector<1x16xf32>
      tpu.vector_store %arg7[%swap3A, %swap3A_64], %swap3A_67 {strides = array<i32>} : memref<16x128xf32, #tpu.memory_space<vmem>>, vector<1x16xf32>,
    }
    %scan3A_11 = arith.constant 128 : i32
    %mul3A_12 = arith.constant 640 : i32
    %mul3A_13 = arith.muli %arg1, %mul3A_12 : i32
    %scan3A_14 = arith.constant 0 : i32
    %scan3A_15 = arith.constant 0 : i32
    %scan3A_16 = arith.constant 40 : i32
    %scan3A_17 = arith.addi %scan3A_15, %scan3A_16 : i32
    %scan3A_18 = arith.constant 1 : i32
    scf.for %scan3A_30 = %scan3A_15 to %scan3A_17 step %scan3A_18  : i32 {
      %mul3A_31 = arith.constant 16 : i32
      %mul3A_32 = arith.muli %scan3A_30, %mul3A_31 : i32
      %add3A_33 = arith.addi %mul3A_13, %mul3A_32 : i32
      "tpu.region"() ({
        %run_scoped3A = tpu.sem_alloc : memref<!tpu.dma_semaphore, #tpu.memory_space<semaphore_mem>>
        %dma_start3A = arith.constant 0 : i32
        %dma_start3A_34 = tpu.memref_slice %arg8[%add3A_33, %dma_start3A] : memref<10240x128xf32, #tpu.memory_space<vmem_shared>> -> memref<16x128xf32, #tpu.memory_space<vmem_shared>>
        %dma_start3A_35 = arith.constant 0 : i32
        %dma_start3A_36 = tpu.memref_slice %arg8[%add3A_33, %dma_start3A_35] : memref<10240x128xf32, #tpu.memory_space<vmem_shared>> -> memref<16x128xf32, #tpu.memory_space<vmem_shared>>
        tpu.enqueue_dma source(%arg7 : memref<16x128xf32, #tpu.memory_space<vmem>>) target(%dma_start3A_36 : memref<16x128xf32, #tpu.memory_space<vmem_shared>>) target_semaphore(%run_scoped3A : memref<!tpu.dma_semaphore, #tpu.memory_space<semaphore_mem>>)
        %dma_wait3A = arith.constant 0 : i32
        %dma_wait3A_37 = tpu.memref_slice %arg8[%add3A_33, %dma_wait3A] : memref<10240x128xf32, #tpu.memory_space<vmem_shared>> -> memref<16x128xf32, #tpu.memory_space<vmem_shared>>
        %dma_wait3A_38 = arith.constant 0 : i32
        %dma_wait3A_39 = tpu.memref_slice %arg8[%add3A_33, %dma_wait3A_38] : memref<10240x128xf32, #tpu.memory_space<vmem_shared>> -> memref<16x128xf32, #tpu.memory_space<vmem_shared>>
        tpu.wait_dma2 semaphore(%run_scoped3A : memref<!tpu.dma_semaphore, #tpu.memory_space<semaphore_mem>>) src(%arg7 : memref<16x128xf32, #tpu.memory_space<vmem>>) dst(%dma_wait3A_39 : memref<16x128xf32, #tpu.memory_space<vmem_shared>>)
        tpu.yield
      }) : () -> ()
    }
    %scan3A_19 = arith.constant 40 : i32
    "tpu.region"() ({
      %run_scoped3A = tpu.sem_alloc : memref<!tpu.dma_semaphore, #tpu.memory_space<semaphore_mem>>
      %dma_start3A = arith.constant 0 : i32
      %dma_start3A_30 = tpu.memref_slice %arg2[%add3A, %dma_start3A] : memref<32x10000xi32, #tpu.memory_space<hbm>> -> memref<1x10000xi32, #tpu.memory_space<hbm>>
      %dma_start3A_31 = tpu.memref_squeeze %dma_start3A_30 : memref<1x10000xi32, #tpu.memory_space<hbm>> -> memref<10000xi32, #tpu.memory_space<hbm>>
      %dma_start3A_32 = arith.constant 0 : i32
      %dma_start3A_33 = tpu.memref_slice %arg2[%add3A, %dma_start3A_32] : memref<32x10000xi32, #tpu.memory_space<hbm>> -> memref<1x10000xi32, #tpu.memory_space<hbm>>
      %dma_start3A_34 = tpu.memref_squeeze %dma_start3A_33 : memref<1x10000xi32, #tpu.memory_space<hbm>> -> memref<10000xi32, #tpu.memory_space<hbm>>
      tpu.enqueue_dma source(%dma_start3A_34 : memref<10000xi32, #tpu.memory_space<hbm>>) target(%arg4 : memref<10000xi32, #tpu.memory_space<vmem>>) target_semaphore(%run_scoped3A : memref<!tpu.dma_semaphore, #tpu.memory_space<semaphore_mem>>)
      %dma_wait3A = arith.constant 0 : i32
      %dma_wait3A_35 = tpu.memref_slice %arg2[%add3A, %dma_wait3A] : memref<32x10000xi32, #tpu.memory_space<hbm>> -> memref<1x10000xi32, #tpu.memory_space<hbm>>
      %dma_wait3A_36 = tpu.memref_squeeze %dma_wait3A_35 : memref<1x10000xi32, #tpu.memory_space<hbm>> -> memref<10000xi32, #tpu.memory_space<hbm>>
      %dma_wait3A_37 = arith.constant 0 : i32
      %dma_wait3A_38 = tpu.memref_slice %arg2[%add3A, %dma_wait3A_37] : memref<32x10000xi32, #tpu.memory_space<hbm>> -> memref<1x10000xi32, #tpu.memory_space<hbm>>
      %dma_wait3A_39 = tpu.memref_squeeze %dma_wait3A_38 : memref<1x10000xi32, #tpu.memory_space<hbm>> -> memref<10000xi32, #tpu.memory_space<hbm>>
      tpu.wait_dma2 semaphore(%run_scoped3A : memref<!tpu.dma_semaphore, #tpu.memory_space<semaphore_mem>>) src(%dma_wait3A_39 : memref<10000xi32, #tpu.memory_space<hbm>>) dst(%arg4 : memref<10000xi32, #tpu.memory_space<vmem>>)
      tpu.yield
    }) : () -> ()
    %barrier3A = arith.constant 0 : index
    tpu.barrier barrier_id(%barrier3A)
    %scan3A_20 = arith.constant 0 : i32
    %scan3A_21 = arith.constant 0 : i32
    %scan3A_22 = arith.constant 125 : i32
    %scan3A_23 = arith.addi %scan3A_21, %scan3A_22 : i32
    %scan3A_24 = arith.constant 1 : i32
    scf.for %scan3A_30 = %scan3A_21 to %scan3A_23 step %scan3A_24  : i32 {
      %mul3A_31 = arith.constant 80 : i32
      %mul3A_32 = arith.muli %scan3A_30, %mul3A_31 : i32
      %add3A_33 = arith.constant 0 : i32
      %add3A_34 = arith.addi %mul3A_32, %add3A_33 : i32
      %get3A = arith.index_cast %add3A_34 : i32 to index
      %get3A_35 = tpu.vector_load %arg4[%get3A] {strides = array<i32>} : memref<10000xi32, #tpu.memory_space<vmem>>, vector<16xi32>,
      %get3A_36 = vector.shape_cast %get3A_35 : vector<16xi32> to vector<16xi32>
      %swap3A = arith.constant 0 : i32
      %swap3A_37 = arith.index_cast %swap3A : i32 to index
      %swap3A_38 = arith.constant 0 : index
      %swap3A_39 = tpu.vector_load %arg5[%swap3A_37, %swap3A_38] {strides = array<i32>} : memref<1x80xi32, #tpu.memory_space<vmem>>, vector<1x16xi32>,
      %swap3A_40 = vector.shape_cast %swap3A_39 : vector<1x16xi32> to vector<16xi32>
      %swap3A_41 = vector.shape_cast %get3A_36 : vector<16xi32> to vector<1x16xi32>
      tpu.vector_store %arg5[%swap3A_37, %swap3A_38], %swap3A_41 {strides = array<i32>} : memref<1x80xi32, #tpu.memory_space<vmem>>, vector<1x16xi32>,
      %mul3A_42 = arith.constant 80 : i32
      %mul3A_43 = arith.muli %scan3A_30, %mul3A_42 : i32
      %add3A_44 = arith.constant 16 : i32
      %add3A_45 = arith.addi %mul3A_43, %add3A_44 : i32
      %get3A_46 = arith.index_cast %add3A_45 : i32 to index
      %get3A_47 = tpu.vector_load %arg4[%get3A_46] {strides = array<i32>} : memref<10000xi32, #tpu.memory_space<vmem>>, vector<16xi32>,
      %get3A_48 = vector.shape_cast %get3A_47 : vector<16xi32> to vector<16xi32>
      %swap3A_49 = arith.constant 0 : i32
      %swap3A_50 = arith.index_cast %swap3A_49 : i32 to index
      %swap3A_51 = arith.constant 16 : index
      %swap3A_52 = tpu.vector_load %arg5[%swap3A_50, %swap3A_51] {strides = array<i32>} : memref<1x80xi32, #tpu.memory_space<vmem>>, vector<1x16xi32>,
      %swap3A_53 = vector.shape_cast %swap3A_52 : vector<1x16xi32> to vector<16xi32>
      %swap3A_54 = vector.shape_cast %get3A_48 : vector<16xi32> to vector<1x16xi32>
      tpu.vector_store %arg5[%swap3A_50, %swap3A_51], %swap3A_54 {strides = array<i32>} : memref<1x80xi32, #tpu.memory_space<vmem>>, vector<1x16xi32>,
      %mul3A_55 = arith.constant 80 : i32
      %mul3A_56 = arith.muli %scan3A_30, %mul3A_55 : i32
      %add3A_57 = arith.constant 32 : i32
      %add3A_58 = arith.addi %mul3A_56, %add3A_57 : i32
      %get3A_59 = arith.index_cast %add3A_58 : i32 to index
      %get3A_60 = tpu.vector_load %arg4[%get3A_59] {strides = array<i32>} : memref<10000xi32, #tpu.memory_space<vmem>>, vector<16xi32>,
      %get3A_61 = vector.shape_cast %get3A_60 : vector<16xi32> to vector<16xi32>
      %swap3A_62 = arith.constant 0 : i32
      %swap3A_63 = arith.index_cast %swap3A_62 : i32 to index
      %swap3A_64 = arith.constant 32 : index
      %swap3A_65 = tpu.vector_load %arg5[%swap3A_63, %swap3A_64] {strides = array<i32>} : memref<1x80xi32, #tpu.memory_space<vmem>>, vector<1x16xi32>,
      %swap3A_66 = vector.shape_cast %swap3A_65 : vector<1x16xi32> to vector<16xi32>
      %swap3A_67 = vector.shape_cast %get3A_61 : vector<16xi32> to vector<1x16xi32>
      tpu.vector_store %arg5[%swap3A_63, %swap3A_64], %swap3A_67 {strides = array<i32>} : memref<1x80xi32, #tpu.memory_space<vmem>>, vector<1x16xi32>,
      %mul3A_68 = arith.constant 80 : i32
      %mul3A_69 = arith.muli %scan3A_30, %mul3A_68 : i32
      %add3A_70 = arith.constant 48 : i32
      %add3A_71 = arith.addi %mul3A_69, %add3A_70 : i32
      %get3A_72 = arith.index_cast %add3A_71 : i32 to index
      %get3A_73 = tpu.vector_load %arg4[%get3A_72] {strides = array<i32>} : memref<10000xi32, #tpu.memory_space<vmem>>, vector<16xi32>,
      %get3A_74 = vector.shape_cast %get3A_73 : vector<16xi32> to vector<16xi32>
      %swap3A_75 = arith.constant 0 : i32
      %swap3A_76 = arith.index_cast %swap3A_75 : i32 to index
      %swap3A_77 = arith.constant 48 : index
      %swap3A_78 = tpu.vector_load %arg5[%swap3A_76, %swap3A_77] {strides = array<i32>} : memref<1x80xi32, #tpu.memory_space<vmem>>, vector<1x16xi32>,
      %swap3A_79 = vector.shape_cast %swap3A_78 : vector<1x16xi32> to vector<16xi32>
      %swap3A_80 = vector.shape_cast %get3A_74 : vector<16xi32> to vector<1x16xi32>
      tpu.vector_store %arg5[%swap3A_76, %swap3A_77], %swap3A_80 {strides = array<i32>} : memref<1x80xi32, #tpu.memory_space<vmem>>, vector<1x16xi32>,
      %mul3A_81 = arith.constant 80 : i32
      %mul3A_82 = arith.muli %scan3A_30, %mul3A_81 : i32
      %add3A_83 = arith.constant 64 : i32
      %add3A_84 = arith.addi %mul3A_82, %add3A_83 : i32
      %get3A_85 = arith.index_cast %add3A_84 : i32 to index
      %get3A_86 = tpu.vector_load %arg4[%get3A_85] {strides = array<i32>} : memref<10000xi32, #tpu.memory_space<vmem>>, vector<16xi32>,
      %get3A_87 = vector.shape_cast %get3A_86 : vector<16xi32> to vector<16xi32>
      %swap3A_88 = arith.constant 0 : i32
      %swap3A_89 = arith.index_cast %swap3A_88 : i32 to index
      %swap3A_90 = arith.constant 64 : index
      %swap3A_91 = tpu.vector_load %arg5[%swap3A_89, %swap3A_90] {strides = array<i32>} : memref<1x80xi32, #tpu.memory_space<vmem>>, vector<1x16xi32>,
      %swap3A_92 = vector.shape_cast %swap3A_91 : vector<1x16xi32> to vector<16xi32>
      %swap3A_93 = vector.shape_cast %get3A_87 : vector<16xi32> to vector<1x16xi32>
      tpu.vector_store %arg5[%swap3A_89, %swap3A_90], %swap3A_93 {strides = array<i32>} : memref<1x80xi32, #tpu.memory_space<vmem>>, vector<1x16xi32>,
      %run_scoped3A = arith.constant 0 : i32
      "tpu.region"() ({
        %run_scoped3A_94 = tpu.sem_alloc : memref<!tpu.dma_semaphore, #tpu.memory_space<semaphore_mem>>
        %dma_start3A = arith.constant 0 : i32
        %dma_start3A_95 = tpu.memref_slice %arg5[%run_scoped3A, %dma_start3A] : memref<1x80xi32, #tpu.memory_space<vmem>> -> memref<1x80xi32, #tpu.memory_space<vmem>>
        %dma_start3A_96 = tpu.memref_squeeze %dma_start3A_95 : memref<1x80xi32, #tpu.memory_space<vmem>> -> memref<80xi32, #tpu.memory_space<vmem>>
        %dma_start3A_97 = arith.constant 0 : i32
        %dma_start3A_98 = arith.constant 0 : i32
        %dma_start3A_99 = tpu.memref_slice %arg8[%dma_start3A_97, %dma_start3A_98] : memref<10240x128xf32, #tpu.memory_space<vmem_shared>> -> memref<10240x128xf32, #tpu.memory_space<vmem_shared>>
        tpu.enqueue_indirect_dma source(%arg6 : memref<80x128xf32, #tpu.memory_space<vmem>>) target(%dma_start3A_99 : memref<10240x128xf32, #tpu.memory_space<vmem_shared>>) offsets(%dma_start3A_96 : memref<80xi32, #tpu.memory_space<vmem>>) semaphore(%run_scoped3A_94 : memref<!tpu.dma_semaphore, #tpu.memory_space<semaphore_mem>>) {add = true}
        %dma_wait3A = arith.constant 0 : i32
        %dma_wait3A_100 = tpu.memref_slice %arg5[%run_scoped3A, %dma_wait3A] : memref<1x80xi32, #tpu.memory_space<vmem>> -> memref<1x80xi32, #tpu.memory_space<vmem>>
        %dma_wait3A_101 = tpu.memref_squeeze %dma_wait3A_100 : memref<1x80xi32, #tpu.memory_space<vmem>> -> memref<80xi32, #tpu.memory_space<vmem>>
        %dma_wait3A_102 = arith.constant 0 : i32
        %dma_wait3A_103 = arith.constant 0 : i32
        %dma_wait3A_104 = tpu.memref_slice %arg8[%dma_wait3A_102, %dma_wait3A_103] : memref<10240x128xf32, #tpu.memory_space<vmem_shared>> -> memref<10240x128xf32, #tpu.memory_space<vmem_shared>>
        tpu.wait_indirect_dma semaphore(%run_scoped3A_94 : memref<!tpu.dma_semaphore, #tpu.memory_space<semaphore_mem>>) src(%arg6 : memref<80x128xf32, #tpu.memory_space<vmem>>) dst(%dma_wait3A_104 : memref<10240x128xf32, #tpu.memory_space<vmem_shared>>)
        tpu.yield
      }) : () -> ()
    }
    %scan3A_25 = arith.constant 125 : i32
    %barrier3A_26 = arith.constant 0 : index
    tpu.barrier barrier_id(%barrier3A_26)
    %mul3A_27 = arith.constant 10240 : i32
    %mul3A_28 = arith.muli %arg0, %mul3A_27 : i32
    %add3A_29 = arith.addi %mul3A_28, %mul3A_13 : i32
    "tpu.region"() ({
      %run_scoped3A = tpu.sem_alloc : memref<!tpu.dma_semaphore, #tpu.memory_space<semaphore_mem>>
      %dma_start3A = arith.constant 0 : i32
      %dma_start3A_30 = tpu.memref_slice %arg3[%add3A_29, %dma_start3A] : memref<20480x128xf32, #tpu.memory_space<hbm>> -> memref<640x128xf32, #tpu.memory_space<hbm>>
      %dma_start3A_31 = arith.constant 0 : i32
      %dma_start3A_32 = tpu.memref_slice %arg8[%mul3A_13, %dma_start3A_31] : memref<10240x128xf32, #tpu.memory_space<vmem_shared>> -> memref<640x128xf32, #tpu.memory_space<vmem_shared>>
      tpu.enqueue_dma source(%dma_start3A_32 : memref<640x128xf32, #tpu.memory_space<vmem_shared>>) target(%dma_start3A_30 : memref<640x128xf32, #tpu.memory_space<hbm>>) target_semaphore(%run_scoped3A : memref<!tpu.dma_semaphore, #tpu.memory_space<semaphore_mem>>)
      %dma_wait3A = arith.constant 0 : i32
      %dma_wait3A_33 = tpu.memref_slice %arg3[%add3A_29, %dma_wait3A] : memref<20480x128xf32, #tpu.memory_space<hbm>> -> memref<640x128xf32, #tpu.memory_space<hbm>>
      %dma_wait3A_34 = arith.constant 0 : i32
      %dma_wait3A_35 = tpu.memref_slice %arg8[%mul3A_13, %dma_wait3A_34] : memref<10240x128xf32, #tpu.memory_space<vmem_shared>> -> memref<640x128xf32, #tpu.memory_space<vmem_shared>>
      tpu.wait_dma2 semaphore(%run_scoped3A : memref<!tpu.dma_semaphore, #tpu.memory_space<semaphore_mem>>) src(%dma_wait3A_35 : memref<640x128xf32, #tpu.memory_space<vmem_shared>>) dst(%dma_wait3A_33 : memref<640x128xf32, #tpu.memory_space<hbm>>)
      tpu.yield
    }) : () -> ()
    return
  }
}

#map = affine_map<(d0, d1) -> (0, 0)>
module attributes {stable_mosaic.version = 14 : i64} {
  func.func @_agg_sums(%arg0: i32, %arg1: i32, %arg2: memref<10000x128xf32, #tpu.memory_space<hbm>>, %arg3: memref<32x10000xi32, #tpu.memory_space<hbm>>, %arg4: memref<32x10000xi32, #tpu.memory_space<hbm>>, %arg5: memref<20480x128xf32, #tpu.memory_space<hbm>>, %arg6: memref<10000xi32, #tpu.memory_space<vmem>>, %arg7: memref<10000xi32, #tpu.memory_space<vmem>>, %arg8: memref<1x80xi32, #tpu.memory_space<vmem>>, %arg9: memref<80x128xf32, #tpu.memory_space<vmem>>, %arg10: memref<80x128xf32, #tpu.memory_space<vmem>>, %arg11: memref<16x128xf32, #tpu.memory_space<vmem>>, %arg12: memref<10240x128xf32, #tpu.memory_space<vmem_shared>>, %arg13: memref<!tpu.dma_semaphore, #tpu.memory_space<semaphore_mem>>, %arg14: memref<!tpu.dma_semaphore, #tpu.memory_space<semaphore_mem>>) attributes {dimension_semantics = [#tpu.dimension_semantics<core_parallel>, #tpu.dimension_semantics<subcore_parallel>], iteration_bounds = array<i64: 2, 16>, scalar_prefetch = 0 : i64, scratch_operands = 9 : i64, tpu.core_type = #tpu.core_type<sc_vector_subcore>, window_params = [{transform_indices = #map}, {transform_indices = #map}, {transform_indices = #map}, {transform_indices = #map}]} {
    %mul3A = arith.constant 16 : i32
    %mul3A_0 = arith.muli %arg0, %mul3A : i32
    %add3A = arith.addi %mul3A_0, %arg1 : i32
    %scan3A = arith.constant 0 : i32
    %scan3A_1 = arith.constant 0 : i32
    %scan3A_2 = arith.constant 128 : i32
    %scan3A_3 = arith.addi %scan3A_1, %scan3A_2 : i32
    %scan3A_4 = arith.constant 1 : i32
    scf.for %scan3A_75 = %scan3A_1 to %scan3A_3 step %scan3A_4  : i32 {
      %broadcast_in_dim3A = arith.constant 0.000000e+00 : f32
      %broadcast_in_dim3A_76 = vector.broadcast %broadcast_in_dim3A : f32 to vector<16xf32>
      %jit3A = arith.constant 8 : i32
      %div3A = arith.divsi %scan3A_75, %jit3A : i32
      %sign3A = arith.constant 0 : i32
      %sign3A_77 = arith.cmpi sgt, %scan3A_75, %sign3A : i32
      %sign3A_78 = arith.extui %sign3A_77 : i1 to i32
      %sign3A_79 = arith.constant 0 : i32
      %sign3A_80 = arith.cmpi slt, %scan3A_75, %sign3A_79 : i32
      %sign3A_81 = arith.extui %sign3A_80 : i1 to i32
      %sign3A_82 = arith.subi %sign3A_78, %sign3A_81 : i32
      %sign3A_83 = arith.constant 0 : i32
      %sign3A_84 = arith.cmpi sgt, %jit3A, %sign3A_83 : i32
      %sign3A_85 = arith.extui %sign3A_84 : i1 to i32
      %sign3A_86 = arith.constant 0 : i32
      %sign3A_87 = arith.cmpi slt, %jit3A, %sign3A_86 : i32
      %sign3A_88 = arith.extui %sign3A_87 : i1 to i32
      %sign3A_89 = arith.subi %sign3A_85, %sign3A_88 : i32
      %ne3A = arith.cmpi ne, %sign3A_82, %sign3A_89 : i32
      %rem3A = arith.remsi %scan3A_75, %jit3A : i32
      %ne3A_90 = arith.constant 0 : i32
      %ne3A_91 = arith.cmpi ne, %rem3A, %ne3A_90 : i32
      %and3A = arith.andi %ne3A, %ne3A_91 : i1
      %sub3A = arith.constant 1 : i32
      %sub3A_92 = arith.subi %div3A, %sub3A : i32
      %select_n3A = arith.select %and3A, %sub3A_92, %div3A : i32
      %jit3A_93 = arith.constant 8 : i32
      %eq3A = arith.constant 0 : i32
      %eq3A_94 = arith.cmpi eq, %jit3A_93, %eq3A : i32
      %jit3A_95 = arith.constant 1 : i32
      %select_n3A_96 = arith.select %eq3A_94, %jit3A_95, %jit3A_93 : i32
      %rem3A_97 = arith.remsi %scan3A_75, %select_n3A_96 : i32
      %ne3A_98 = arith.constant 0 : i32
      %ne3A_99 = arith.cmpi ne, %rem3A_97, %ne3A_98 : i32
      %lt3A = arith.constant 0 : i32
      %lt3A_100 = arith.cmpi slt, %rem3A_97, %lt3A : i32
      %lt3A_101 = arith.constant 0 : i32
      %lt3A_102 = arith.cmpi slt, %select_n3A_96, %lt3A_101 : i32
      %ne3A_103 = arith.xori %lt3A_100, %lt3A_102 : i1
      %and3A_104 = arith.andi %ne3A_103, %ne3A_99 : i1
      %add3A_105 = arith.addi %rem3A_97, %select_n3A_96 : i32
      %select_n3A_106 = arith.select %and3A_104, %add3A_105, %rem3A_97 : i32
      %mul3A_107 = arith.constant 16 : i32
      %mul3A_108 = arith.muli %select_n3A_106, %mul3A_107 : i32
      %swap3A_109 = arith.index_cast %select_n3A : i32 to index
      %swap3A_110 = arith.index_cast %mul3A_108 : i32 to index
      %swap3A_111 = tpu.vector_load %arg11[%swap3A_109, %swap3A_110] {strides = array<i32>} : memref<16x128xf32, #tpu.memory_space<vmem>>, vector<1x16xf32>,
      %swap3A_112 = vector.shape_cast %swap3A_111 : vector<1x16xf32> to vector<16xf32>
      %swap3A_113 = vector.shape_cast %broadcast_in_dim3A_76 : vector<16xf32> to vector<1x16xf32>
      tpu.vector_store %arg11[%swap3A_109, %swap3A_110], %swap3A_113 {strides = array<i32>} : memref<16x128xf32, #tpu.memory_space<vmem>>, vector<1x16xf32>,
    }
    %scan3A_5 = arith.constant 128 : i32
    %mul3A_6 = arith.constant 640 : i32
    %mul3A_7 = arith.muli %arg1, %mul3A_6 : i32
    %scan3A_8 = arith.constant 0 : i32
    %scan3A_9 = arith.constant 0 : i32
    %scan3A_10 = arith.constant 40 : i32
    %scan3A_11 = arith.addi %scan3A_9, %scan3A_10 : i32
    %scan3A_12 = arith.constant 1 : i32
    scf.for %scan3A_75 = %scan3A_9 to %scan3A_11 step %scan3A_12  : i32 {
      %mul3A_76 = arith.constant 16 : i32
      %mul3A_77 = arith.muli %scan3A_75, %mul3A_76 : i32
      %add3A_78 = arith.addi %mul3A_7, %mul3A_77 : i32
      "tpu.region"() ({
        %run_scoped3A_79 = tpu.sem_alloc : memref<!tpu.dma_semaphore, #tpu.memory_space<semaphore_mem>>
        %dma_start3A_80 = arith.constant 0 : i32
        %dma_start3A_81 = tpu.memref_slice %arg12[%add3A_78, %dma_start3A_80] : memref<10240x128xf32, #tpu.memory_space<vmem_shared>> -> memref<16x128xf32, #tpu.memory_space<vmem_shared>>
        %dma_start3A_82 = arith.constant 0 : i32
        %dma_start3A_83 = tpu.memref_slice %arg12[%add3A_78, %dma_start3A_82] : memref<10240x128xf32, #tpu.memory_space<vmem_shared>> -> memref<16x128xf32, #tpu.memory_space<vmem_shared>>
        tpu.enqueue_dma source(%arg11 : memref<16x128xf32, #tpu.memory_space<vmem>>) target(%dma_start3A_83 : memref<16x128xf32, #tpu.memory_space<vmem_shared>>) target_semaphore(%run_scoped3A_79 : memref<!tpu.dma_semaphore, #tpu.memory_space<semaphore_mem>>)
        %dma_wait3A_84 = arith.constant 0 : i32
        %dma_wait3A_85 = tpu.memref_slice %arg12[%add3A_78, %dma_wait3A_84] : memref<10240x128xf32, #tpu.memory_space<vmem_shared>> -> memref<16x128xf32, #tpu.memory_space<vmem_shared>>
        %dma_wait3A_86 = arith.constant 0 : i32
        %dma_wait3A_87 = tpu.memref_slice %arg12[%add3A_78, %dma_wait3A_86] : memref<10240x128xf32, #tpu.memory_space<vmem_shared>> -> memref<16x128xf32, #tpu.memory_space<vmem_shared>>
        tpu.wait_dma2 semaphore(%run_scoped3A_79 : memref<!tpu.dma_semaphore, #tpu.memory_space<semaphore_mem>>) src(%arg11 : memref<16x128xf32, #tpu.memory_space<vmem>>) dst(%dma_wait3A_87 : memref<16x128xf32, #tpu.memory_space<vmem_shared>>)
        tpu.yield
      }) : () -> ()
    }
    %scan3A_13 = arith.constant 40 : i32
    "tpu.region"() ({
      %run_scoped3A_75 = tpu.sem_alloc : memref<!tpu.dma_semaphore, #tpu.memory_space<semaphore_mem>>
      %dma_start3A_76 = arith.constant 0 : i32
      %dma_start3A_77 = tpu.memref_slice %arg3[%add3A, %dma_start3A_76] : memref<32x10000xi32, #tpu.memory_space<hbm>> -> memref<1x10000xi32, #tpu.memory_space<hbm>>
      %dma_start3A_78 = tpu.memref_squeeze %dma_start3A_77 : memref<1x10000xi32, #tpu.memory_space<hbm>> -> memref<10000xi32, #tpu.memory_space<hbm>>
      %dma_start3A_79 = arith.constant 0 : i32
      %dma_start3A_80 = tpu.memref_slice %arg3[%add3A, %dma_start3A_79] : memref<32x10000xi32, #tpu.memory_space<hbm>> -> memref<1x10000xi32, #tpu.memory_space<hbm>>
      %dma_start3A_81 = tpu.memref_squeeze %dma_start3A_80 : memref<1x10000xi32, #tpu.memory_space<hbm>> -> memref<10000xi32, #tpu.memory_space<hbm>>
      tpu.enqueue_dma source(%dma_start3A_81 : memref<10000xi32, #tpu.memory_space<hbm>>) target(%arg6 : memref<10000xi32, #tpu.memory_space<vmem>>) target_semaphore(%run_scoped3A_75 : memref<!tpu.dma_semaphore, #tpu.memory_space<semaphore_mem>>)
      %dma_wait3A_82 = arith.constant 0 : i32
      %dma_wait3A_83 = tpu.memref_slice %arg3[%add3A, %dma_wait3A_82] : memref<32x10000xi32, #tpu.memory_space<hbm>> -> memref<1x10000xi32, #tpu.memory_space<hbm>>
      %dma_wait3A_84 = tpu.memref_squeeze %dma_wait3A_83 : memref<1x10000xi32, #tpu.memory_space<hbm>> -> memref<10000xi32, #tpu.memory_space<hbm>>
      %dma_wait3A_85 = arith.constant 0 : i32
      %dma_wait3A_86 = tpu.memref_slice %arg3[%add3A, %dma_wait3A_85] : memref<32x10000xi32, #tpu.memory_space<hbm>> -> memref<1x10000xi32, #tpu.memory_space<hbm>>
      %dma_wait3A_87 = tpu.memref_squeeze %dma_wait3A_86 : memref<1x10000xi32, #tpu.memory_space<hbm>> -> memref<10000xi32, #tpu.memory_space<hbm>>
      tpu.wait_dma2 semaphore(%run_scoped3A_75 : memref<!tpu.dma_semaphore, #tpu.memory_space<semaphore_mem>>) src(%dma_wait3A_87 : memref<10000xi32, #tpu.memory_space<hbm>>) dst(%arg6 : memref<10000xi32, #tpu.memory_space<vmem>>)
      tpu.yield
    }) : () -> ()
    "tpu.region"() ({
      %run_scoped3A_75 = tpu.sem_alloc : memref<!tpu.dma_semaphore, #tpu.memory_space<semaphore_mem>>
      %dma_start3A_76 = arith.constant 0 : i32
      %dma_start3A_77 = tpu.memref_slice %arg4[%add3A, %dma_start3A_76] : memref<32x10000xi32, #tpu.memory_space<hbm>> -> memref<1x10000xi32, #tpu.memory_space<hbm>>
      %dma_start3A_78 = tpu.memref_squeeze %dma_start3A_77 : memref<1x10000xi32, #tpu.memory_space<hbm>> -> memref<10000xi32, #tpu.memory_space<hbm>>
      %dma_start3A_79 = arith.constant 0 : i32
      %dma_start3A_80 = tpu.memref_slice %arg4[%add3A, %dma_start3A_79] : memref<32x10000xi32, #tpu.memory_space<hbm>> -> memref<1x10000xi32, #tpu.memory_space<hbm>>
      %dma_start3A_81 = tpu.memref_squeeze %dma_start3A_80 : memref<1x10000xi32, #tpu.memory_space<hbm>> -> memref<10000xi32, #tpu.memory_space<hbm>>
      tpu.enqueue_dma source(%dma_start3A_81 : memref<10000xi32, #tpu.memory_space<hbm>>) target(%arg7 : memref<10000xi32, #tpu.memory_space<vmem>>) target_semaphore(%run_scoped3A_75 : memref<!tpu.dma_semaphore, #tpu.memory_space<semaphore_mem>>)
      %dma_wait3A_82 = arith.constant 0 : i32
      %dma_wait3A_83 = tpu.memref_slice %arg4[%add3A, %dma_wait3A_82] : memref<32x10000xi32, #tpu.memory_space<hbm>> -> memref<1x10000xi32, #tpu.memory_space<hbm>>
      %dma_wait3A_84 = tpu.memref_squeeze %dma_wait3A_83 : memref<1x10000xi32, #tpu.memory_space<hbm>> -> memref<10000xi32, #tpu.memory_space<hbm>>
      %dma_wait3A_85 = arith.constant 0 : i32
      %dma_wait3A_86 = tpu.memref_slice %arg4[%add3A, %dma_wait3A_85] : memref<32x10000xi32, #tpu.memory_space<hbm>> -> memref<1x10000xi32, #tpu.memory_space<hbm>>
      %dma_wait3A_87 = tpu.memref_squeeze %dma_wait3A_86 : memref<1x10000xi32, #tpu.memory_space<hbm>> -> memref<10000xi32, #tpu.memory_space<hbm>>
      tpu.wait_dma2 semaphore(%run_scoped3A_75 : memref<!tpu.dma_semaphore, #tpu.memory_space<semaphore_mem>>) src(%dma_wait3A_87 : memref<10000xi32, #tpu.memory_space<hbm>>) dst(%arg7 : memref<10000xi32, #tpu.memory_space<vmem>>)
      tpu.yield
    }) : () -> ()
    %barrier3A = arith.constant 0 : index
    tpu.barrier barrier_id(%barrier3A)
    %dma_start3A = arith.constant 0 : i32
    %dma_start3A_14 = tpu.memref_slice %arg6[%dma_start3A] : memref<10000xi32, #tpu.memory_space<vmem>> -> memref<80xi32, #tpu.memory_space<vmem>>
    %dma_start3A_15 = arith.constant 0 : i32
    %dma_start3A_16 = arith.constant 0 : i32
    %dma_start3A_17 = tpu.memref_slice %arg2[%dma_start3A_15, %dma_start3A_16] : memref<10000x128xf32, #tpu.memory_space<hbm>> -> memref<10000x128xf32, #tpu.memory_space<hbm>>
    tpu.enqueue_indirect_dma source(%dma_start3A_17 : memref<10000x128xf32, #tpu.memory_space<hbm>>) target(%arg9 : memref<80x128xf32, #tpu.memory_space<vmem>>) offsets(%dma_start3A_14 : memref<80xi32, #tpu.memory_space<vmem>>) semaphore(%arg13 : memref<!tpu.dma_semaphore, #tpu.memory_space<semaphore_mem>>)
    %scan3A_18 = arith.constant 0 : i32
    %scan3A_19 = arith.constant 0 : i32
    %scan3A_20 = arith.constant 62 : i32
    %scan3A_21 = arith.addi %scan3A_19, %scan3A_20 : i32
    %scan3A_22 = arith.constant 1 : i32
    scf.for %scan3A_75 = %scan3A_19 to %scan3A_21 step %scan3A_22  : i32 {
      %mul3A_76 = arith.constant 2 : i32
      %mul3A_77 = arith.muli %mul3A_76, %scan3A_75 : i32
      %add3A_78 = arith.constant 1 : i32
      %add3A_79 = arith.addi %mul3A_77, %add3A_78 : i32
      %mul3A_80 = arith.constant 80 : i32
      %mul3A_81 = arith.muli %add3A_79, %mul3A_80 : i32
      %dma_start3A_82 = tpu.memref_slice %arg6[%mul3A_81] : memref<10000xi32, #tpu.memory_space<vmem>> -> memref<80xi32, #tpu.memory_space<vmem>>
      %dma_start3A_83 = arith.constant 0 : i32
      %dma_start3A_84 = arith.constant 0 : i32
      %dma_start3A_85 = tpu.memref_slice %arg2[%dma_start3A_83, %dma_start3A_84] : memref<10000x128xf32, #tpu.memory_space<hbm>> -> memref<10000x128xf32, #tpu.memory_space<hbm>>
      tpu.enqueue_indirect_dma source(%dma_start3A_85 : memref<10000x128xf32, #tpu.memory_space<hbm>>) target(%arg10 : memref<80x128xf32, #tpu.memory_space<vmem>>) offsets(%dma_start3A_82 : memref<80xi32, #tpu.memory_space<vmem>>) semaphore(%arg14 : memref<!tpu.dma_semaphore, #tpu.memory_space<semaphore_mem>>)
      %mul3A_86 = arith.constant 80 : i32
      %mul3A_87 = arith.muli %mul3A_77, %mul3A_86 : i32
      %dma_wait3A_88 = tpu.memref_slice %arg6[%mul3A_87] : memref<10000xi32, #tpu.memory_space<vmem>> -> memref<80xi32, #tpu.memory_space<vmem>>
      %dma_wait3A_89 = arith.constant 0 : i32
      %dma_wait3A_90 = arith.constant 0 : i32
      %dma_wait3A_91 = tpu.memref_slice %arg2[%dma_wait3A_89, %dma_wait3A_90] : memref<10000x128xf32, #tpu.memory_space<hbm>> -> memref<10000x128xf32, #tpu.memory_space<hbm>>
      tpu.wait_indirect_dma semaphore(%arg13 : memref<!tpu.dma_semaphore, #tpu.memory_space<semaphore_mem>>) src(%dma_wait3A_91 : memref<10000x128xf32, #tpu.memory_space<hbm>>) dst(%arg9 : memref<80x128xf32, #tpu.memory_space<vmem>>)
      %mul3A_92 = arith.constant 80 : i32
      %mul3A_93 = arith.muli %mul3A_77, %mul3A_92 : i32
      %add3A_94 = arith.constant 0 : i32
      %add3A_95 = arith.addi %mul3A_93, %add3A_94 : i32
      %get3A_96 = arith.index_cast %add3A_95 : i32 to index
      %get3A_97 = tpu.vector_load %arg7[%get3A_96] {strides = array<i32>} : memref<10000xi32, #tpu.memory_space<vmem>>, vector<16xi32>,
      %get3A_98 = vector.shape_cast %get3A_97 : vector<16xi32> to vector<16xi32>
      %swap3A_99 = arith.constant 0 : i32
      %swap3A_100 = arith.index_cast %swap3A_99 : i32 to index
      %swap3A_101 = arith.constant 0 : index
      %swap3A_102 = tpu.vector_load %arg8[%swap3A_100, %swap3A_101] {strides = array<i32>} : memref<1x80xi32, #tpu.memory_space<vmem>>, vector<1x16xi32>,
      %swap3A_103 = vector.shape_cast %swap3A_102 : vector<1x16xi32> to vector<16xi32>
      %swap3A_104 = vector.shape_cast %get3A_98 : vector<16xi32> to vector<1x16xi32>
      tpu.vector_store %arg8[%swap3A_100, %swap3A_101], %swap3A_104 {strides = array<i32>} : memref<1x80xi32, #tpu.memory_space<vmem>>, vector<1x16xi32>,
      %mul3A_105 = arith.constant 80 : i32
      %mul3A_106 = arith.muli %mul3A_77, %mul3A_105 : i32
      %add3A_107 = arith.constant 16 : i32
      %add3A_108 = arith.addi %mul3A_106, %add3A_107 : i32
      %get3A_109 = arith.index_cast %add3A_108 : i32 to index
      %get3A_110 = tpu.vector_load %arg7[%get3A_109] {strides = array<i32>} : memref<10000xi32, #tpu.memory_space<vmem>>, vector<16xi32>,
      %get3A_111 = vector.shape_cast %get3A_110 : vector<16xi32> to vector<16xi32>
      %swap3A_112 = arith.constant 0 : i32
      %swap3A_113 = arith.index_cast %swap3A_112 : i32 to index
      %swap3A_114 = arith.constant 16 : index
      %swap3A_115 = tpu.vector_load %arg8[%swap3A_113, %swap3A_114] {strides = array<i32>} : memref<1x80xi32, #tpu.memory_space<vmem>>, vector<1x16xi32>,
      %swap3A_116 = vector.shape_cast %swap3A_115 : vector<1x16xi32> to vector<16xi32>
      %swap3A_117 = vector.shape_cast %get3A_111 : vector<16xi32> to vector<1x16xi32>
      tpu.vector_store %arg8[%swap3A_113, %swap3A_114], %swap3A_117 {strides = array<i32>} : memref<1x80xi32, #tpu.memory_space<vmem>>, vector<1x16xi32>,
      %mul3A_118 = arith.constant 80 : i32
      %mul3A_119 = arith.muli %mul3A_77, %mul3A_118 : i32
      %add3A_120 = arith.constant 32 : i32
      %add3A_121 = arith.addi %mul3A_119, %add3A_120 : i32
      %get3A_122 = arith.index_cast %add3A_121 : i32 to index
      %get3A_123 = tpu.vector_load %arg7[%get3A_122] {strides = array<i32>} : memref<10000xi32, #tpu.memory_space<vmem>>, vector<16xi32>,
      %get3A_124 = vector.shape_cast %get3A_123 : vector<16xi32> to vector<16xi32>
      %swap3A_125 = arith.constant 0 : i32
      %swap3A_126 = arith.index_cast %swap3A_125 : i32 to index
      %swap3A_127 = arith.constant 32 : index
      %swap3A_128 = tpu.vector_load %arg8[%swap3A_126, %swap3A_127] {strides = array<i32>} : memref<1x80xi32, #tpu.memory_space<vmem>>, vector<1x16xi32>,
      %swap3A_129 = vector.shape_cast %swap3A_128 : vector<1x16xi32> to vector<16xi32>
      %swap3A_130 = vector.shape_cast %get3A_124 : vector<16xi32> to vector<1x16xi32>
      tpu.vector_store %arg8[%swap3A_126, %swap3A_127], %swap3A_130 {strides = array<i32>} : memref<1x80xi32, #tpu.memory_space<vmem>>, vector<1x16xi32>,
      %mul3A_131 = arith.constant 80 : i32
      %mul3A_132 = arith.muli %mul3A_77, %mul3A_131 : i32
      %add3A_133 = arith.constant 48 : i32
      %add3A_134 = arith.addi %mul3A_132, %add3A_133 : i32
      %get3A_135 = arith.index_cast %add3A_134 : i32 to index
      %get3A_136 = tpu.vector_load %arg7[%get3A_135] {strides = array<i32>} : memref<10000xi32, #tpu.memory_space<vmem>>, vector<16xi32>,
      %get3A_137 = vector.shape_cast %get3A_136 : vector<16xi32> to vector<16xi32>
      %swap3A_138 = arith.constant 0 : i32
      %swap3A_139 = arith.index_cast %swap3A_138 : i32 to index
      %swap3A_140 = arith.constant 48 : index
      %swap3A_141 = tpu.vector_load %arg8[%swap3A_139, %swap3A_140] {strides = array<i32>} : memref<1x80xi32, #tpu.memory_space<vmem>>, vector<1x16xi32>,
      %swap3A_142 = vector.shape_cast %swap3A_141 : vector<1x16xi32> to vector<16xi32>
      %swap3A_143 = vector.shape_cast %get3A_137 : vector<16xi32> to vector<1x16xi32>
      tpu.vector_store %arg8[%swap3A_139, %swap3A_140], %swap3A_143 {strides = array<i32>} : memref<1x80xi32, #tpu.memory_space<vmem>>, vector<1x16xi32>,
      %mul3A_144 = arith.constant 80 : i32
      %mul3A_145 = arith.muli %mul3A_77, %mul3A_144 : i32
      %add3A_146 = arith.constant 64 : i32
      %add3A_147 = arith.addi %mul3A_145, %add3A_146 : i32
      %get3A_148 = arith.index_cast %add3A_147 : i32 to index
      %get3A_149 = tpu.vector_load %arg7[%get3A_148] {strides = array<i32>} : memref<10000xi32, #tpu.memory_space<vmem>>, vector<16xi32>,
      %get3A_150 = vector.shape_cast %get3A_149 : vector<16xi32> to vector<16xi32>
      %swap3A_151 = arith.constant 0 : i32
      %swap3A_152 = arith.index_cast %swap3A_151 : i32 to index
      %swap3A_153 = arith.constant 64 : index
      %swap3A_154 = tpu.vector_load %arg8[%swap3A_152, %swap3A_153] {strides = array<i32>} : memref<1x80xi32, #tpu.memory_space<vmem>>, vector<1x16xi32>,
      %swap3A_155 = vector.shape_cast %swap3A_154 : vector<1x16xi32> to vector<16xi32>
      %swap3A_156 = vector.shape_cast %get3A_150 : vector<16xi32> to vector<1x16xi32>
      tpu.vector_store %arg8[%swap3A_152, %swap3A_153], %swap3A_156 {strides = array<i32>} : memref<1x80xi32, #tpu.memory_space<vmem>>, vector<1x16xi32>,
      %run_scoped3A_157 = arith.constant 0 : i32
      "tpu.region"() ({
        %run_scoped3A_242 = tpu.sem_alloc : memref<!tpu.dma_semaphore, #tpu.memory_space<semaphore_mem>>
        %dma_start3A_243 = arith.constant 0 : i32
        %dma_start3A_244 = tpu.memref_slice %arg8[%run_scoped3A_157, %dma_start3A_243] : memref<1x80xi32, #tpu.memory_space<vmem>> -> memref<1x80xi32, #tpu.memory_space<vmem>>
        %dma_start3A_245 = tpu.memref_squeeze %dma_start3A_244 : memref<1x80xi32, #tpu.memory_space<vmem>> -> memref<80xi32, #tpu.memory_space<vmem>>
        %dma_start3A_246 = arith.constant 0 : i32
        %dma_start3A_247 = arith.constant 0 : i32
        %dma_start3A_248 = tpu.memref_slice %arg12[%dma_start3A_246, %dma_start3A_247] : memref<10240x128xf32, #tpu.memory_space<vmem_shared>> -> memref<10240x128xf32, #tpu.memory_space<vmem_shared>>
        tpu.enqueue_indirect_dma source(%arg9 : memref<80x128xf32, #tpu.memory_space<vmem>>) target(%dma_start3A_248 : memref<10240x128xf32, #tpu.memory_space<vmem_shared>>) offsets(%dma_start3A_245 : memref<80xi32, #tpu.memory_space<vmem>>) semaphore(%run_scoped3A_242 : memref<!tpu.dma_semaphore, #tpu.memory_space<semaphore_mem>>) {add = true}
        %dma_wait3A_249 = arith.constant 0 : i32
        %dma_wait3A_250 = tpu.memref_slice %arg8[%run_scoped3A_157, %dma_wait3A_249] : memref<1x80xi32, #tpu.memory_space<vmem>> -> memref<1x80xi32, #tpu.memory_space<vmem>>
        %dma_wait3A_251 = tpu.memref_squeeze %dma_wait3A_250 : memref<1x80xi32, #tpu.memory_space<vmem>> -> memref<80xi32, #tpu.memory_space<vmem>>
        %dma_wait3A_252 = arith.constant 0 : i32
        %dma_wait3A_253 = arith.constant 0 : i32
        %dma_wait3A_254 = tpu.memref_slice %arg12[%dma_wait3A_252, %dma_wait3A_253] : memref<10240x128xf32, #tpu.memory_space<vmem_shared>> -> memref<10240x128xf32, #tpu.memory_space<vmem_shared>>
        tpu.wait_indirect_dma semaphore(%run_scoped3A_242 : memref<!tpu.dma_semaphore, #tpu.memory_space<semaphore_mem>>) src(%arg9 : memref<80x128xf32, #tpu.memory_space<vmem>>) dst(%dma_wait3A_254 : memref<10240x128xf32, #tpu.memory_space<vmem_shared>>)
        tpu.yield
      }) : () -> ()
      %add3A_158 = arith.constant 2 : i32
      %add3A_159 = arith.addi %mul3A_77, %add3A_158 : i32
      %mul3A_160 = arith.constant 80 : i32
      %mul3A_161 = arith.muli %add3A_159, %mul3A_160 : i32
      %dma_start3A_162 = tpu.memref_slice %arg6[%mul3A_161] : memref<10000xi32, #tpu.memory_space<vmem>> -> memref<80xi32, #tpu.memory_space<vmem>>
      %dma_start3A_163 = arith.constant 0 : i32
      %dma_start3A_164 = arith.constant 0 : i32
      %dma_start3A_165 = tpu.memref_slice %arg2[%dma_start3A_163, %dma_start3A_164] : memref<10000x128xf32, #tpu.memory_space<hbm>> -> memref<10000x128xf32, #tpu.memory_space<hbm>>
      tpu.enqueue_indirect_dma source(%dma_start3A_165 : memref<10000x128xf32, #tpu.memory_space<hbm>>) target(%arg9 : memref<80x128xf32, #tpu.memory_space<vmem>>) offsets(%dma_start3A_162 : memref<80xi32, #tpu.memory_space<vmem>>) semaphore(%arg13 : memref<!tpu.dma_semaphore, #tpu.memory_space<semaphore_mem>>)
      %add3A_166 = arith.constant 1 : i32
      %add3A_167 = arith.addi %mul3A_77, %add3A_166 : i32
      %mul3A_168 = arith.constant 80 : i32
      %mul3A_169 = arith.muli %add3A_167, %mul3A_168 : i32
      %dma_wait3A_170 = tpu.memref_slice %arg6[%mul3A_169] : memref<10000xi32, #tpu.memory_space<vmem>> -> memref<80xi32, #tpu.memory_space<vmem>>
      %dma_wait3A_171 = arith.constant 0 : i32
      %dma_wait3A_172 = arith.constant 0 : i32
      %dma_wait3A_173 = tpu.memref_slice %arg2[%dma_wait3A_171, %dma_wait3A_172] : memref<10000x128xf32, #tpu.memory_space<hbm>> -> memref<10000x128xf32, #tpu.memory_space<hbm>>
      tpu.wait_indirect_dma semaphore(%arg14 : memref<!tpu.dma_semaphore, #tpu.memory_space<semaphore_mem>>) src(%dma_wait3A_173 : memref<10000x128xf32, #tpu.memory_space<hbm>>) dst(%arg10 : memref<80x128xf32, #tpu.memory_space<vmem>>)
      %add3A_174 = arith.constant 1 : i32
      %add3A_175 = arith.addi %mul3A_77, %add3A_174 : i32
      %mul3A_176 = arith.constant 80 : i32
      %mul3A_177 = arith.muli %add3A_175, %mul3A_176 : i32
      %add3A_178 = arith.constant 0 : i32
      %add3A_179 = arith.addi %mul3A_177, %add3A_178 : i32
      %get3A_180 = arith.index_cast %add3A_179 : i32 to index
      %get3A_181 = tpu.vector_load %arg7[%get3A_180] {strides = array<i32>} : memref<10000xi32, #tpu.memory_space<vmem>>, vector<16xi32>,
      %get3A_182 = vector.shape_cast %get3A_181 : vector<16xi32> to vector<16xi32>
      %swap3A_183 = arith.constant 0 : i32
      %swap3A_184 = arith.index_cast %swap3A_183 : i32 to index
      %swap3A_185 = arith.constant 0 : index
      %swap3A_186 = tpu.vector_load %arg8[%swap3A_184, %swap3A_185] {strides = array<i32>} : memref<1x80xi32, #tpu.memory_space<vmem>>, vector<1x16xi32>,
      %swap3A_187 = vector.shape_cast %swap3A_186 : vector<1x16xi32> to vector<16xi32>
      %swap3A_188 = vector.shape_cast %get3A_182 : vector<16xi32> to vector<1x16xi32>
      tpu.vector_store %arg8[%swap3A_184, %swap3A_185], %swap3A_188 {strides = array<i32>} : memref<1x80xi32, #tpu.memory_space<vmem>>, vector<1x16xi32>,
      %mul3A_189 = arith.constant 80 : i32
      %mul3A_190 = arith.muli %add3A_175, %mul3A_189 : i32
      %add3A_191 = arith.constant 16 : i32
      %add3A_192 = arith.addi %mul3A_190, %add3A_191 : i32
      %get3A_193 = arith.index_cast %add3A_192 : i32 to index
      %get3A_194 = tpu.vector_load %arg7[%get3A_193] {strides = array<i32>} : memref<10000xi32, #tpu.memory_space<vmem>>, vector<16xi32>,
      %get3A_195 = vector.shape_cast %get3A_194 : vector<16xi32> to vector<16xi32>
      %swap3A_196 = arith.constant 0 : i32
      %swap3A_197 = arith.index_cast %swap3A_196 : i32 to index
      %swap3A_198 = arith.constant 16 : index
      %swap3A_199 = tpu.vector_load %arg8[%swap3A_197, %swap3A_198] {strides = array<i32>} : memref<1x80xi32, #tpu.memory_space<vmem>>, vector<1x16xi32>,
      %swap3A_200 = vector.shape_cast %swap3A_199 : vector<1x16xi32> to vector<16xi32>
      %swap3A_201 = vector.shape_cast %get3A_195 : vector<16xi32> to vector<1x16xi32>
      tpu.vector_store %arg8[%swap3A_197, %swap3A_198], %swap3A_201 {strides = array<i32>} : memref<1x80xi32, #tpu.memory_space<vmem>>, vector<1x16xi32>,
      %mul3A_202 = arith.constant 80 : i32
      %mul3A_203 = arith.muli %add3A_175, %mul3A_202 : i32
      %add3A_204 = arith.constant 32 : i32
      %add3A_205 = arith.addi %mul3A_203, %add3A_204 : i32
      %get3A_206 = arith.index_cast %add3A_205 : i32 to index
      %get3A_207 = tpu.vector_load %arg7[%get3A_206] {strides = array<i32>} : memref<10000xi32, #tpu.memory_space<vmem>>, vector<16xi32>,
      %get3A_208 = vector.shape_cast %get3A_207 : vector<16xi32> to vector<16xi32>
      %swap3A_209 = arith.constant 0 : i32
      %swap3A_210 = arith.index_cast %swap3A_209 : i32 to index
      %swap3A_211 = arith.constant 32 : index
      %swap3A_212 = tpu.vector_load %arg8[%swap3A_210, %swap3A_211] {strides = array<i32>} : memref<1x80xi32, #tpu.memory_space<vmem>>, vector<1x16xi32>,
      %swap3A_213 = vector.shape_cast %swap3A_212 : vector<1x16xi32> to vector<16xi32>
      %swap3A_214 = vector.shape_cast %get3A_208 : vector<16xi32> to vector<1x16xi32>
      tpu.vector_store %arg8[%swap3A_210, %swap3A_211], %swap3A_214 {strides = array<i32>} : memref<1x80xi32, #tpu.memory_space<vmem>>, vector<1x16xi32>,
      %mul3A_215 = arith.constant 80 : i32
      %mul3A_216 = arith.muli %add3A_175, %mul3A_215 : i32
      %add3A_217 = arith.constant 48 : i32
      %add3A_218 = arith.addi %mul3A_216, %add3A_217 : i32
      %get3A_219 = arith.index_cast %add3A_218 : i32 to index
      %get3A_220 = tpu.vector_load %arg7[%get3A_219] {strides = array<i32>} : memref<10000xi32, #tpu.memory_space<vmem>>, vector<16xi32>,
      %get3A_221 = vector.shape_cast %get3A_220 : vector<16xi32> to vector<16xi32>
      %swap3A_222 = arith.constant 0 : i32
      %swap3A_223 = arith.index_cast %swap3A_222 : i32 to index
      %swap3A_224 = arith.constant 48 : index
      %swap3A_225 = tpu.vector_load %arg8[%swap3A_223, %swap3A_224] {strides = array<i32>} : memref<1x80xi32, #tpu.memory_space<vmem>>, vector<1x16xi32>,
      %swap3A_226 = vector.shape_cast %swap3A_225 : vector<1x16xi32> to vector<16xi32>
      %swap3A_227 = vector.shape_cast %get3A_221 : vector<16xi32> to vector<1x16xi32>
      tpu.vector_store %arg8[%swap3A_223, %swap3A_224], %swap3A_227 {strides = array<i32>} : memref<1x80xi32, #tpu.memory_space<vmem>>, vector<1x16xi32>,
      %mul3A_228 = arith.constant 80 : i32
      %mul3A_229 = arith.muli %add3A_175, %mul3A_228 : i32
      %add3A_230 = arith.constant 64 : i32
      %add3A_231 = arith.addi %mul3A_229, %add3A_230 : i32
      %get3A_232 = arith.index_cast %add3A_231 : i32 to index
      %get3A_233 = tpu.vector_load %arg7[%get3A_232] {strides = array<i32>} : memref<10000xi32, #tpu.memory_space<vmem>>, vector<16xi32>,
      %get3A_234 = vector.shape_cast %get3A_233 : vector<16xi32> to vector<16xi32>
      %swap3A_235 = arith.constant 0 : i32
      %swap3A_236 = arith.index_cast %swap3A_235 : i32 to index
      %swap3A_237 = arith.constant 64 : index
      %swap3A_238 = tpu.vector_load %arg8[%swap3A_236, %swap3A_237] {strides = array<i32>} : memref<1x80xi32, #tpu.memory_space<vmem>>, vector<1x16xi32>,
      %swap3A_239 = vector.shape_cast %swap3A_238 : vector<1x16xi32> to vector<16xi32>
      %swap3A_240 = vector.shape_cast %get3A_234 : vector<16xi32> to vector<1x16xi32>
      tpu.vector_store %arg8[%swap3A_236, %swap3A_237], %swap3A_240 {strides = array<i32>} : memref<1x80xi32, #tpu.memory_space<vmem>>, vector<1x16xi32>,
      %run_scoped3A_241 = arith.constant 0 : i32
      "tpu.region"() ({
        %run_scoped3A_242 = tpu.sem_alloc : memref<!tpu.dma_semaphore, #tpu.memory_space<semaphore_mem>>
        %dma_start3A_243 = arith.constant 0 : i32
        %dma_start3A_244 = tpu.memref_slice %arg8[%run_scoped3A_241, %dma_start3A_243] : memref<1x80xi32, #tpu.memory_space<vmem>> -> memref<1x80xi32, #tpu.memory_space<vmem>>
        %dma_start3A_245 = tpu.memref_squeeze %dma_start3A_244 : memref<1x80xi32, #tpu.memory_space<vmem>> -> memref<80xi32, #tpu.memory_space<vmem>>
        %dma_start3A_246 = arith.constant 0 : i32
        %dma_start3A_247 = arith.constant 0 : i32
        %dma_start3A_248 = tpu.memref_slice %arg12[%dma_start3A_246, %dma_start3A_247] : memref<10240x128xf32, #tpu.memory_space<vmem_shared>> -> memref<10240x128xf32, #tpu.memory_space<vmem_shared>>
        tpu.enqueue_indirect_dma source(%arg10 : memref<80x128xf32, #tpu.memory_space<vmem>>) target(%dma_start3A_248 : memref<10240x128xf32, #tpu.memory_space<vmem_shared>>) offsets(%dma_start3A_245 : memref<80xi32, #tpu.memory_space<vmem>>) semaphore(%run_scoped3A_242 : memref<!tpu.dma_semaphore, #tpu.memory_space<semaphore_mem>>) {add = true}
        %dma_wait3A_249 = arith.constant 0 : i32
        %dma_wait3A_250 = tpu.memref_slice %arg8[%run_scoped3A_241, %dma_wait3A_249] : memref<1x80xi32, #tpu.memory_space<vmem>> -> memref<1x80xi32, #tpu.memory_space<vmem>>
        %dma_wait3A_251 = tpu.memref_squeeze %dma_wait3A_250 : memref<1x80xi32, #tpu.memory_space<vmem>> -> memref<80xi32, #tpu.memory_space<vmem>>
        %dma_wait3A_252 = arith.constant 0 : i32
        %dma_wait3A_253 = arith.constant 0 : i32
        %dma_wait3A_254 = tpu.memref_slice %arg12[%dma_wait3A_252, %dma_wait3A_253] : memref<10240x128xf32, #tpu.memory_space<vmem_shared>> -> memref<10240x128xf32, #tpu.memory_space<vmem_shared>>
        tpu.wait_indirect_dma semaphore(%run_scoped3A_242 : memref<!tpu.dma_semaphore, #tpu.memory_space<semaphore_mem>>) src(%arg10 : memref<80x128xf32, #tpu.memory_space<vmem>>) dst(%dma_wait3A_254 : memref<10240x128xf32, #tpu.memory_space<vmem_shared>>)
        tpu.yield
      }) : () -> ()
    }
    %scan3A_23 = arith.constant 62 : i32
    %dma_wait3A = arith.constant 9920 : i32
    %dma_wait3A_24 = tpu.memref_slice %arg6[%dma_wait3A] : memref<10000xi32, #tpu.memory_space<vmem>> -> memref<80xi32, #tpu.memory_space<vmem>>
    %dma_wait3A_25 = arith.constant 0 : i32
    %dma_wait3A_26 = arith.constant 0 : i32
    %dma_wait3A_27 = tpu.memref_slice %arg2[%dma_wait3A_25, %dma_wait3A_26] : memref<10000x128xf32, #tpu.memory_space<hbm>> -> memref<10000x128xf32, #tpu.memory_space<hbm>>
    tpu.wait_indirect_dma semaphore(%arg13 : memref<!tpu.dma_semaphore, #tpu.memory_space<semaphore_mem>>) src(%dma_wait3A_27 : memref<10000x128xf32, #tpu.memory_space<hbm>>) dst(%arg9 : memref<80x128xf32, #tpu.memory_space<vmem>>)
    %get3A = arith.constant 9920 : index
    %get3A_28 = tpu.vector_load %arg7[%get3A] {strides = array<i32>} : memref<10000xi32, #tpu.memory_space<vmem>>, vector<16xi32>,
    %get3A_29 = vector.shape_cast %get3A_28 : vector<16xi32> to vector<16xi32>
    %swap3A = arith.constant 0 : i32
    %swap3A_30 = arith.index_cast %swap3A : i32 to index
    %swap3A_31 = arith.constant 0 : index
    %swap3A_32 = tpu.vector_load %arg8[%swap3A_30, %swap3A_31] {strides = array<i32>} : memref<1x80xi32, #tpu.memory_space<vmem>>, vector<1x16xi32>,
    %swap3A_33 = vector.shape_cast %swap3A_32 : vector<1x16xi32> to vector<16xi32>
    %swap3A_34 = vector.shape_cast %get3A_29 : vector<16xi32> to vector<1x16xi32>
    tpu.vector_store %arg8[%swap3A_30, %swap3A_31], %swap3A_34 {strides = array<i32>} : memref<1x80xi32, #tpu.memory_space<vmem>>, vector<1x16xi32>,
    %get3A_35 = arith.constant 9936 : index
    %get3A_36 = tpu.vector_load %arg7[%get3A_35] {strides = array<i32>} : memref<10000xi32, #tpu.memory_space<vmem>>, vector<16xi32>,
    %get3A_37 = vector.shape_cast %get3A_36 : vector<16xi32> to vector<16xi32>
    %swap3A_38 = arith.constant 0 : i32
    %swap3A_39 = arith.index_cast %swap3A_38 : i32 to index
    %swap3A_40 = arith.constant 16 : index
    %swap3A_41 = tpu.vector_load %arg8[%swap3A_39, %swap3A_40] {strides = array<i32>} : memref<1x80xi32, #tpu.memory_space<vmem>>, vector<1x16xi32>,
    %swap3A_42 = vector.shape_cast %swap3A_41 : vector<1x16xi32> to vector<16xi32>
    %swap3A_43 = vector.shape_cast %get3A_37 : vector<16xi32> to vector<1x16xi32>
    tpu.vector_store %arg8[%swap3A_39, %swap3A_40], %swap3A_43 {strides = array<i32>} : memref<1x80xi32, #tpu.memory_space<vmem>>, vector<1x16xi32>,
    %get3A_44 = arith.constant 9952 : index
    %get3A_45 = tpu.vector_load %arg7[%get3A_44] {strides = array<i32>} : memref<10000xi32, #tpu.memory_space<vmem>>, vector<16xi32>,
    %get3A_46 = vector.shape_cast %get3A_45 : vector<16xi32> to vector<16xi32>
    %swap3A_47 = arith.constant 0 : i32
    %swap3A_48 = arith.index_cast %swap3A_47 : i32 to index
    %swap3A_49 = arith.constant 32 : index
    %swap3A_50 = tpu.vector_load %arg8[%swap3A_48, %swap3A_49] {strides = array<i32>} : memref<1x80xi32, #tpu.memory_space<vmem>>, vector<1x16xi32>,
    %swap3A_51 = vector.shape_cast %swap3A_50 : vector<1x16xi32> to vector<16xi32>
    %swap3A_52 = vector.shape_cast %get3A_46 : vector<16xi32> to vector<1x16xi32>
    tpu.vector_store %arg8[%swap3A_48, %swap3A_49], %swap3A_52 {strides = array<i32>} : memref<1x80xi32, #tpu.memory_space<vmem>>, vector<1x16xi32>,
    %get3A_53 = arith.constant 9968 : index
    %get3A_54 = tpu.vector_load %arg7[%get3A_53] {strides = array<i32>} : memref<10000xi32, #tpu.memory_space<vmem>>, vector<16xi32>,
    %get3A_55 = vector.shape_cast %get3A_54 : vector<16xi32> to vector<16xi32>
    %swap3A_56 = arith.constant 0 : i32
    %swap3A_57 = arith.index_cast %swap3A_56 : i32 to index
    %swap3A_58 = arith.constant 48 : index
    %swap3A_59 = tpu.vector_load %arg8[%swap3A_57, %swap3A_58] {strides = array<i32>} : memref<1x80xi32, #tpu.memory_space<vmem>>, vector<1x16xi32>,
    %swap3A_60 = vector.shape_cast %swap3A_59 : vector<1x16xi32> to vector<16xi32>
    %swap3A_61 = vector.shape_cast %get3A_55 : vector<16xi32> to vector<1x16xi32>
    tpu.vector_store %arg8[%swap3A_57, %swap3A_58], %swap3A_61 {strides = array<i32>} : memref<1x80xi32, #tpu.memory_space<vmem>>, vector<1x16xi32>,
    %get3A_62 = arith.constant 9984 : index
    %get3A_63 = tpu.vector_load %arg7[%get3A_62] {strides = array<i32>} : memref<10000xi32, #tpu.memory_space<vmem>>, vector<16xi32>,
    %get3A_64 = vector.shape_cast %get3A_63 : vector<16xi32> to vector<16xi32>
    %swap3A_65 = arith.constant 0 : i32
    %swap3A_66 = arith.index_cast %swap3A_65 : i32 to index
    %swap3A_67 = arith.constant 64 : index
    %swap3A_68 = tpu.vector_load %arg8[%swap3A_66, %swap3A_67] {strides = array<i32>} : memref<1x80xi32, #tpu.memory_space<vmem>>, vector<1x16xi32>,
    %swap3A_69 = vector.shape_cast %swap3A_68 : vector<1x16xi32> to vector<16xi32>
    %swap3A_70 = vector.shape_cast %get3A_64 : vector<16xi32> to vector<1x16xi32>
    tpu.vector_store %arg8[%swap3A_66, %swap3A_67], %swap3A_70 {strides = array<i32>} : memref<1x80xi32, #tpu.memory_space<vmem>>, vector<1x16xi32>,
    %run_scoped3A = arith.constant 0 : i32
    "tpu.region"() ({
      %run_scoped3A_75 = tpu.sem_alloc : memref<!tpu.dma_semaphore, #tpu.memory_space<semaphore_mem>>
      %dma_start3A_76 = arith.constant 0 : i32
      %dma_start3A_77 = tpu.memref_slice %arg8[%run_scoped3A, %dma_start3A_76] : memref<1x80xi32, #tpu.memory_space<vmem>> -> memref<1x80xi32, #tpu.memory_space<vmem>>
      %dma_start3A_78 = tpu.memref_squeeze %dma_start3A_77 : memref<1x80xi32, #tpu.memory_space<vmem>> -> memref<80xi32, #tpu.memory_space<vmem>>
      %dma_start3A_79 = arith.constant 0 : i32
      %dma_start3A_80 = arith.constant 0 : i32
      %dma_start3A_81 = tpu.memref_slice %arg12[%dma_start3A_79, %dma_start3A_80] : memref<10240x128xf32, #tpu.memory_space<vmem_shared>> -> memref<10240x128xf32, #tpu.memory_space<vmem_shared>>
      tpu.enqueue_indirect_dma source(%arg9 : memref<80x128xf32, #tpu.memory_space<vmem>>) target(%dma_start3A_81 : memref<10240x128xf32, #tpu.memory_space<vmem_shared>>) offsets(%dma_start3A_78 : memref<80xi32, #tpu.memory_space<vmem>>) semaphore(%run_scoped3A_75 : memref<!tpu.dma_semaphore, #tpu.memory_space<semaphore_mem>>) {add = true}
      %dma_wait3A_82 = arith.constant 0 : i32
      %dma_wait3A_83 = tpu.memref_slice %arg8[%run_scoped3A, %dma_wait3A_82] : memref<1x80xi32, #tpu.memory_space<vmem>> -> memref<1x80xi32, #tpu.memory_space<vmem>>
      %dma_wait3A_84 = tpu.memref_squeeze %dma_wait3A_83 : memref<1x80xi32, #tpu.memory_space<vmem>> -> memref<80xi32, #tpu.memory_space<vmem>>
      %dma_wait3A_85 = arith.constant 0 : i32
      %dma_wait3A_86 = arith.constant 0 : i32
      %dma_wait3A_87 = tpu.memref_slice %arg12[%dma_wait3A_85, %dma_wait3A_86] : memref<10240x128xf32, #tpu.memory_space<vmem_shared>> -> memref<10240x128xf32, #tpu.memory_space<vmem_shared>>
      tpu.wait_indirect_dma semaphore(%run_scoped3A_75 : memref<!tpu.dma_semaphore, #tpu.memory_space<semaphore_mem>>) src(%arg9 : memref<80x128xf32, #tpu.memory_space<vmem>>) dst(%dma_wait3A_87 : memref<10240x128xf32, #tpu.memory_space<vmem_shared>>)
      tpu.yield
    }) : () -> ()
    %barrier3A_71 = arith.constant 0 : index
    tpu.barrier barrier_id(%barrier3A_71)
    %mul3A_72 = arith.constant 10240 : i32
    %mul3A_73 = arith.muli %arg0, %mul3A_72 : i32
    %add3A_74 = arith.addi %mul3A_73, %mul3A_7 : i32
    "tpu.region"() ({
      %run_scoped3A_75 = tpu.sem_alloc : memref<!tpu.dma_semaphore, #tpu.memory_space<semaphore_mem>>
      %dma_start3A_76 = arith.constant 0 : i32
      %dma_start3A_77 = tpu.memref_slice %arg5[%add3A_74, %dma_start3A_76] : memref<20480x128xf32, #tpu.memory_space<hbm>> -> memref<640x128xf32, #tpu.memory_space<hbm>>
      %dma_start3A_78 = arith.constant 0 : i32
      %dma_start3A_79 = tpu.memref_slice %arg12[%mul3A_7, %dma_start3A_78] : memref<10240x128xf32, #tpu.memory_space<vmem_shared>> -> memref<640x128xf32, #tpu.memory_space<vmem_shared>>
      tpu.enqueue_dma source(%dma_start3A_79 : memref<640x128xf32, #tpu.memory_space<vmem_shared>>) target(%dma_start3A_77 : memref<640x128xf32, #tpu.memory_space<hbm>>) target_semaphore(%run_scoped3A_75 : memref<!tpu.dma_semaphore, #tpu.memory_space<semaphore_mem>>)
      %dma_wait3A_80 = arith.constant 0 : i32
      %dma_wait3A_81 = tpu.memref_slice %arg5[%add3A_74, %dma_wait3A_80] : memref<20480x128xf32, #tpu.memory_space<hbm>> -> memref<640x128xf32, #tpu.memory_space<hbm>>
      %dma_wait3A_82 = arith.constant 0 : i32
      %dma_wait3A_83 = tpu.memref_slice %arg12[%mul3A_7, %dma_wait3A_82] : memref<10240x128xf32, #tpu.memory_space<vmem_shared>> -> memref<640x128xf32, #tpu.memory_space<vmem_shared>>
      tpu.wait_dma2 semaphore(%run_scoped3A_75 : memref<!tpu.dma_semaphore, #tpu.memory_space<semaphore_mem>>) src(%dma_wait3A_83 : memref<640x128xf32, #tpu.memory_space<vmem_shared>>) dst(%dma_wait3A_81 : memref<640x128xf32, #tpu.memory_space<hbm>>)
      tpu.yield
    }) : () -> ()
    return
  }
}

module attributes {stable_mosaic.version = 14 : i64} {
  func.func @_mlp3_body(%arg0: i32, %arg1: memref<2000x128xf32, #tpu.memory_space<vmem>>, %arg2: memref<128x128xf32, #tpu.memory_space<vmem>>, %arg3: memref<1x128xf32, #tpu.memory_space<vmem>>, %arg4: memref<128x128xf32, #tpu.memory_space<vmem>>, %arg5: memref<1x128xf32, #tpu.memory_space<vmem>>, %arg6: memref<128x128xf32, #tpu.memory_space<vmem>>, %arg7: memref<1x128xf32, #tpu.memory_space<vmem>>, %arg8: memref<2000x128xf32, #tpu.memory_space<vmem>>) attributes {dimension_semantics = [#tpu.dimension_semantics<arbitrary>], iteration_bounds = array<i64: 5>, scalar_prefetch = 0 : i64, scratch_operands = 0 : i64, tpu.core_type = #tpu.core_type<tc>, window_params = [{transform_indices = @transform_0, window_bounds = array<i64: 2000, 128>}, {pipeline_mode = #tpu.pipeline_mode<synchronous>, transform_indices = @transform_1, window_bounds = array<i64: 128, 128>}, {pipeline_mode = #tpu.pipeline_mode<synchronous>, transform_indices = @transform_2, window_bounds = array<i64: 1, 128>}, {pipeline_mode = #tpu.pipeline_mode<synchronous>, transform_indices = @transform_3, window_bounds = array<i64: 128, 128>}, {pipeline_mode = #tpu.pipeline_mode<synchronous>, transform_indices = @transform_4, window_bounds = array<i64: 1, 128>}, {pipeline_mode = #tpu.pipeline_mode<synchronous>, transform_indices = @transform_5, window_bounds = array<i64: 128, 128>}, {pipeline_mode = #tpu.pipeline_mode<synchronous>, transform_indices = @transform_6, window_bounds = array<i64: 1, 128>}, {transform_indices = @transform_7, window_bounds = array<i64: 2000, 128>}]} {
    %get3A = arith.constant 0 : index
    %get3A_0 = arith.constant 0 : index
    %get3A_1 = vector.load %arg1[%get3A, %get3A_0] : memref<2000x128xf32, #tpu.memory_space<vmem>>, vector<2000x128xf32>
    %get3A_2 = arith.constant 0 : index
    %get3A_3 = arith.constant 0 : index
    %get3A_4 = vector.load %arg2[%get3A_2, %get3A_3] : memref<128x128xf32, #tpu.memory_space<vmem>>, vector<128x128xf32>
    %dot_general3A = arith.constant dense<0.000000e+00> : vector<2000x128xf32>
    %dot_general3A_5 = tpu.matmul %get3A_1, %get3A_4, %dot_general3A {dimension_numbers = #tpu.dot_dimension_numbers<[1], [0], [0], [1], [0, 0, 1, 1], [], []>, transpose_lhs_hint = false} : vector<2000x128xf32>, vector<128x128xf32>, vector<2000x128xf32> -> vector<2000x128xf32>
    %get3A_6 = arith.constant 0 : index
    %get3A_7 = arith.constant 0 : index
    %get3A_8 = vector.load %arg3[%get3A_6, %get3A_7] : memref<1x128xf32, #tpu.memory_space<vmem>>, vector<1x128xf32>
    %add3A = vector.broadcast %get3A_8 : vector<1x128xf32> to vector<2000x128xf32>
    %add3A_9 = arith.addf %dot_general3A_5, %add3A : vector<2000x128xf32>
    %max3A = arith.constant 0.000000e+00 : f32
    %max3A_10 = vector.broadcast %max3A : f32 to vector<2000x128xf32>
    %max3A_11 = arith.maximumf %add3A_9, %max3A_10 : vector<2000x128xf32>
    %get3A_12 = arith.constant 0 : index
    %get3A_13 = arith.constant 0 : index
    %get3A_14 = vector.load %arg4[%get3A_12, %get3A_13] : memref<128x128xf32, #tpu.memory_space<vmem>>, vector<128x128xf32>
    %dot_general3A_15 = arith.constant dense<0.000000e+00> : vector<2000x128xf32>
    %dot_general3A_16 = tpu.matmul %max3A_11, %get3A_14, %dot_general3A_15 {dimension_numbers = #tpu.dot_dimension_numbers<[1], [0], [0], [1], [0, 0, 1, 1], [], []>, transpose_lhs_hint = false} : vector<2000x128xf32>, vector<128x128xf32>, vector<2000x128xf32> -> vector<2000x128xf32>
    %get3A_17 = arith.constant 0 : index
    %get3A_18 = arith.constant 0 : index
    %get3A_19 = vector.load %arg5[%get3A_17, %get3A_18] : memref<1x128xf32, #tpu.memory_space<vmem>>, vector<1x128xf32>
    %add3A_20 = vector.broadcast %get3A_19 : vector<1x128xf32> to vector<2000x128xf32>
    %add3A_21 = arith.addf %dot_general3A_16, %add3A_20 : vector<2000x128xf32>
    %max3A_22 = arith.constant 0.000000e+00 : f32
    %max3A_23 = vector.broadcast %max3A_22 : f32 to vector<2000x128xf32>
    %max3A_24 = arith.maximumf %add3A_21, %max3A_23 : vector<2000x128xf32>
    %get3A_25 = arith.constant 0 : index
    %get3A_26 = arith.constant 0 : index
    %get3A_27 = vector.load %arg6[%get3A_25, %get3A_26] : memref<128x128xf32, #tpu.memory_space<vmem>>, vector<128x128xf32>
    %dot_general3A_28 = arith.constant dense<0.000000e+00> : vector<2000x128xf32>
    %dot_general3A_29 = tpu.matmul %max3A_24, %get3A_27, %dot_general3A_28 {dimension_numbers = #tpu.dot_dimension_numbers<[1], [0], [0], [1], [0, 0, 1, 1], [], []>, transpose_lhs_hint = false} : vector<2000x128xf32>, vector<128x128xf32>, vector<2000x128xf32> -> vector<2000x128xf32>
    %get3A_30 = arith.constant 0 : index
    %get3A_31 = arith.constant 0 : index
    %get3A_32 = vector.load %arg7[%get3A_30, %get3A_31] : memref<1x128xf32, #tpu.memory_space<vmem>>, vector<1x128xf32>
    %add3A_33 = vector.broadcast %get3A_32 : vector<1x128xf32> to vector<2000x128xf32>
    %add3A_34 = arith.addf %dot_general3A_29, %add3A_33 : vector<2000x128xf32>
    %max3A_35 = arith.constant 0.000000e+00 : f32
    %max3A_36 = vector.broadcast %max3A_35 : f32 to vector<2000x128xf32>
    %max3A_37 = arith.maximumf %add3A_34, %max3A_36 : vector<2000x128xf32>
    %swap3A = arith.constant 0 : index
    %swap3A_38 = arith.constant 0 : index
    %swap3A_39 = vector.load %arg8[%swap3A, %swap3A_38] : memref<2000x128xf32, #tpu.memory_space<vmem>>, vector<2000x128xf32>
    tpu.vector_store %arg8[%swap3A, %swap3A_38], %max3A_37 {strides = array<i32>} : memref<2000x128xf32, #tpu.memory_space<vmem>>, vector<2000x128xf32>,
    return
  }
  func.func @transform_0(%arg0: i32) -> (i32, i32) {
    %c0_i32 = arith.constant 0 : i32
    %c0_i32_0 = arith.constant 0 : i32
    return %arg0, %c0_i32 : i32, i32
  }
  func.func @transform_1(%arg0: i32) -> (i32, i32) {
    %c0_i32 = arith.constant 0 : i32
    %c0_i32_0 = arith.constant 0 : i32
    %c0_i32_1 = arith.constant 0 : i32
    return %c0_i32, %c0_i32_0 : i32, i32
  }
  func.func @transform_2(%arg0: i32) -> (i32, i32) {
    %c0_i32 = arith.constant 0 : i32
    %c0_i32_0 = arith.constant 0 : i32
    %c0_i32_1 = arith.constant 0 : i32
    return %c0_i32, %c0_i32_0 : i32, i32
  }
  func.func @transform_3(%arg0: i32) -> (i32, i32) {
    %c0_i32 = arith.constant 0 : i32
    %c0_i32_0 = arith.constant 0 : i32
    %c0_i32_1 = arith.constant 0 : i32
    return %c0_i32, %c0_i32_0 : i32, i32
  }
  func.func @transform_4(%arg0: i32) -> (i32, i32) {
    %c0_i32 = arith.constant 0 : i32
    %c0_i32_0 = arith.constant 0 : i32
    %c0_i32_1 = arith.constant 0 : i32
    return %c0_i32, %c0_i32_0 : i32, i32
  }
  func.func @transform_5(%arg0: i32) -> (i32, i32) {
    %c0_i32 = arith.constant 0 : i32
    %c0_i32_0 = arith.constant 0 : i32
    %c0_i32_1 = arith.constant 0 : i32
    return %c0_i32, %c0_i32_0 : i32, i32
  }
  func.func @transform_6(%arg0: i32) -> (i32, i32) {
    %c0_i32 = arith.constant 0 : i32
    %c0_i32_0 = arith.constant 0 : i32
    %c0_i32_1 = arith.constant 0 : i32
    return %c0_i32, %c0_i32_0 : i32, i32
  }
  func.func @transform_7(%arg0: i32) -> (i32, i32) {
    %c0_i32 = arith.constant 0 : i32
    %c0_i32_0 = arith.constant 0 : i32
    return %arg0, %c0_i32 : i32, i32
  }
}

module attributes {stable_mosaic.version = 14 : i64} {
  func.func @_mlp2_body(%arg0: i32, %arg1: memref<1x2000x128xf32, #tpu.memory_space<vmem>>, %arg2: memref<1x2000x128xf32, #tpu.memory_space<vmem>>, %arg3: memref<1x2000x128xf32, #tpu.memory_space<vmem>>, %arg4: memref<1x2000x128xf32, #tpu.memory_space<vmem>>, %arg5: memref<128x128xf32, #tpu.memory_space<vmem>>, %arg6: memref<1x128xf32, #tpu.memory_space<vmem>>, %arg7: memref<128x128xf32, #tpu.memory_space<vmem>>, %arg8: memref<1x128xf32, #tpu.memory_space<vmem>>, %arg9: memref<128x1xf32, #tpu.memory_space<vmem>>, %arg10: memref<1x1xf32, #tpu.memory_space<vmem>>, %arg11: memref<2000x1xf32, #tpu.memory_space<vmem>>) attributes {dimension_semantics = [#tpu.dimension_semantics<arbitrary>], iteration_bounds = array<i64: 5>, scalar_prefetch = 0 : i64, scratch_operands = 0 : i64, tpu.core_type = #tpu.core_type<tc>, window_params = [{transform_indices = @transform_0, window_bounds = array<i64: 1, 2000, 128>}, {transform_indices = @transform_1, window_bounds = array<i64: 1, 2000, 128>}, {transform_indices = @transform_2, window_bounds = array<i64: 1, 2000, 128>}, {transform_indices = @transform_3, window_bounds = array<i64: 1, 2000, 128>}, {pipeline_mode = #tpu.pipeline_mode<synchronous>, transform_indices = @transform_4, window_bounds = array<i64: 128, 128>}, {pipeline_mode = #tpu.pipeline_mode<synchronous>, transform_indices = @transform_5, window_bounds = array<i64: 1, 128>}, {pipeline_mode = #tpu.pipeline_mode<synchronous>, transform_indices = @transform_6, window_bounds = array<i64: 128, 128>}, {pipeline_mode = #tpu.pipeline_mode<synchronous>, transform_indices = @transform_7, window_bounds = array<i64: 1, 128>}, {pipeline_mode = #tpu.pipeline_mode<synchronous>, transform_indices = @transform_8, window_bounds = array<i64: 128, 1>}, {pipeline_mode = #tpu.pipeline_mode<synchronous>, transform_indices = @transform_9, window_bounds = array<i64: 1, 1>}, {transform_indices = @transform_10, window_bounds = array<i64: 2000, 1>}]} {
    %get3A = arith.constant 0 : index
    %get3A_0 = arith.constant 0 : index
    %get3A_1 = arith.constant 0 : index
    %get3A_2 = vector.load %arg1[%get3A, %get3A_0, %get3A_1] : memref<1x2000x128xf32, #tpu.memory_space<vmem>>, vector<1x2000x128xf32>
    %get3A_3 = vector.shape_cast %get3A_2 : vector<1x2000x128xf32> to vector<2000x128xf32>
    %get3A_4 = arith.constant 0 : index
    %get3A_5 = arith.constant 0 : index
    %get3A_6 = arith.constant 0 : index
    %get3A_7 = vector.load %arg2[%get3A_4, %get3A_5, %get3A_6] : memref<1x2000x128xf32, #tpu.memory_space<vmem>>, vector<1x2000x128xf32>
    %get3A_8 = vector.shape_cast %get3A_7 : vector<1x2000x128xf32> to vector<2000x128xf32>
    %add3A = arith.addf %get3A_3, %get3A_8 : vector<2000x128xf32>
    %get3A_9 = arith.constant 0 : index
    %get3A_10 = arith.constant 0 : index
    %get3A_11 = arith.constant 0 : index
    %get3A_12 = vector.load %arg3[%get3A_9, %get3A_10, %get3A_11] : memref<1x2000x128xf32, #tpu.memory_space<vmem>>, vector<1x2000x128xf32>
    %get3A_13 = vector.shape_cast %get3A_12 : vector<1x2000x128xf32> to vector<2000x128xf32>
    %get3A_14 = arith.constant 0 : index
    %get3A_15 = arith.constant 0 : index
    %get3A_16 = arith.constant 0 : index
    %get3A_17 = vector.load %arg4[%get3A_14, %get3A_15, %get3A_16] : memref<1x2000x128xf32, #tpu.memory_space<vmem>>, vector<1x2000x128xf32>
    %get3A_18 = vector.shape_cast %get3A_17 : vector<1x2000x128xf32> to vector<2000x128xf32>
    %add3A_19 = arith.addf %get3A_13, %get3A_18 : vector<2000x128xf32>
    %reduce_max3A = arith.constant dense<0xFF800000> : vector<2000xf32>
    %reduce_max3A_20 = vector.multi_reduction <maximumf>, %add3A_19, %reduce_max3A [1] : vector<2000x128xf32> to vector<2000xf32>
    %broadcast_in_dim3A = vector.shape_cast %reduce_max3A_20 : vector<2000xf32> to vector<2000x1xf32>
    %max3A = arith.constant 1.000000e+00 : f32
    %max3A_21 = vector.broadcast %max3A : f32 to vector<2000x1xf32>
    %max3A_22 = arith.maximumf %broadcast_in_dim3A, %max3A_21 : vector<2000x1xf32>
    %div3A = vector.broadcast %max3A_22 : vector<2000x1xf32> to vector<2000x128xf32>
    %div3A_23 = arith.divf %add3A, %div3A : vector<2000x128xf32>
    %get3A_24 = arith.constant 0 : index
    %get3A_25 = arith.constant 0 : index
    %get3A_26 = vector.load %arg5[%get3A_24, %get3A_25] : memref<128x128xf32, #tpu.memory_space<vmem>>, vector<128x128xf32>
    %dot_general3A = arith.constant dense<0.000000e+00> : vector<2000x128xf32>
    %dot_general3A_27 = tpu.matmul %div3A_23, %get3A_26, %dot_general3A {dimension_numbers = #tpu.dot_dimension_numbers<[1], [0], [0], [1], [0, 0, 1, 1], [], []>, transpose_lhs_hint = false} : vector<2000x128xf32>, vector<128x128xf32>, vector<2000x128xf32> -> vector<2000x128xf32>
    %get3A_28 = arith.constant 0 : index
    %get3A_29 = arith.constant 0 : index
    %get3A_30 = vector.load %arg6[%get3A_28, %get3A_29] : memref<1x128xf32, #tpu.memory_space<vmem>>, vector<1x128xf32>
    %add3A_31 = vector.broadcast %get3A_30 : vector<1x128xf32> to vector<2000x128xf32>
    %add3A_32 = arith.addf %dot_general3A_27, %add3A_31 : vector<2000x128xf32>
    %max3A_33 = arith.constant 0.000000e+00 : f32
    %max3A_34 = vector.broadcast %max3A_33 : f32 to vector<2000x128xf32>
    %max3A_35 = arith.maximumf %add3A_32, %max3A_34 : vector<2000x128xf32>
    %get3A_36 = arith.constant 0 : index
    %get3A_37 = arith.constant 0 : index
    %get3A_38 = vector.load %arg7[%get3A_36, %get3A_37] : memref<128x128xf32, #tpu.memory_space<vmem>>, vector<128x128xf32>
    %dot_general3A_39 = arith.constant dense<0.000000e+00> : vector<2000x128xf32>
    %dot_general3A_40 = tpu.matmul %max3A_35, %get3A_38, %dot_general3A_39 {dimension_numbers = #tpu.dot_dimension_numbers<[1], [0], [0], [1], [0, 0, 1, 1], [], []>, transpose_lhs_hint = false} : vector<2000x128xf32>, vector<128x128xf32>, vector<2000x128xf32> -> vector<2000x128xf32>
    %get3A_41 = arith.constant 0 : index
    %get3A_42 = arith.constant 0 : index
    %get3A_43 = vector.load %arg8[%get3A_41, %get3A_42] : memref<1x128xf32, #tpu.memory_space<vmem>>, vector<1x128xf32>
    %add3A_44 = vector.broadcast %get3A_43 : vector<1x128xf32> to vector<2000x128xf32>
    %add3A_45 = arith.addf %dot_general3A_40, %add3A_44 : vector<2000x128xf32>
    %max3A_46 = arith.constant 0.000000e+00 : f32
    %max3A_47 = vector.broadcast %max3A_46 : f32 to vector<2000x128xf32>
    %max3A_48 = arith.maximumf %add3A_45, %max3A_47 : vector<2000x128xf32>
    %get3A_49 = arith.constant 0 : index
    %get3A_50 = arith.constant 0 : index
    %get3A_51 = vector.load %arg9[%get3A_49, %get3A_50] : memref<128x1xf32, #tpu.memory_space<vmem>>, vector<128x1xf32>
    %dot_general3A_52 = arith.constant dense<0.000000e+00> : vector<2000x1xf32>
    %dot_general3A_53 = tpu.matmul %max3A_48, %get3A_51, %dot_general3A_52 {dimension_numbers = #tpu.dot_dimension_numbers<[1], [0], [0], [1], [0, 0, 1, 1], [], []>, transpose_lhs_hint = false} : vector<2000x128xf32>, vector<128x1xf32>, vector<2000x1xf32> -> vector<2000x1xf32>
    %get3A_54 = arith.constant 0 : index
    %get3A_55 = arith.constant 0 : index
    %get3A_56 = vector.load %arg10[%get3A_54, %get3A_55] : memref<1x1xf32, #tpu.memory_space<vmem>>, vector<1x1xf32>
    %add3A_57 = vector.broadcast %get3A_56 : vector<1x1xf32> to vector<2000x1xf32>
    %add3A_58 = arith.addf %dot_general3A_53, %add3A_57 : vector<2000x1xf32>
    %swap3A = arith.constant 0 : index
    %swap3A_59 = arith.constant 0 : index
    %swap3A_60 = vector.load %arg11[%swap3A, %swap3A_59] : memref<2000x1xf32, #tpu.memory_space<vmem>>, vector<2000x1xf32>
    tpu.vector_store %arg11[%swap3A, %swap3A_59], %add3A_58 {strides = array<i32>} : memref<2000x1xf32, #tpu.memory_space<vmem>>, vector<2000x1xf32>,
    return
  }
  func.func @transform_0(%arg0: i32) -> (i32, i32, i32) {
    %c0_i32 = arith.constant 0 : i32
    %c0_i32_0 = arith.constant 0 : i32
    %c0_i32_1 = arith.constant 0 : i32
    return %c0_i32, %arg0, %c0_i32_0 : i32, i32, i32
  }
  func.func @transform_1(%arg0: i32) -> (i32, i32, i32) {
    %c1_i32 = arith.constant 1 : i32
    %c0_i32 = arith.constant 0 : i32
    %c0_i32_0 = arith.constant 0 : i32
    return %c1_i32, %arg0, %c0_i32 : i32, i32, i32
  }
  func.func @transform_2(%arg0: i32) -> (i32, i32, i32) {
    %c0_i32 = arith.constant 0 : i32
    %c0_i32_0 = arith.constant 0 : i32
    %c0_i32_1 = arith.constant 0 : i32
    return %c0_i32, %arg0, %c0_i32_0 : i32, i32, i32
  }
  func.func @transform_3(%arg0: i32) -> (i32, i32, i32) {
    %c1_i32 = arith.constant 1 : i32
    %c0_i32 = arith.constant 0 : i32
    %c0_i32_0 = arith.constant 0 : i32
    return %c1_i32, %arg0, %c0_i32 : i32, i32, i32
  }
  func.func @transform_4(%arg0: i32) -> (i32, i32) {
    %c0_i32 = arith.constant 0 : i32
    %c0_i32_0 = arith.constant 0 : i32
    %c0_i32_1 = arith.constant 0 : i32
    return %c0_i32, %c0_i32_0 : i32, i32
  }
  func.func @transform_5(%arg0: i32) -> (i32, i32) {
    %c0_i32 = arith.constant 0 : i32
    %c0_i32_0 = arith.constant 0 : i32
    %c0_i32_1 = arith.constant 0 : i32
    return %c0_i32, %c0_i32_0 : i32, i32
  }
  func.func @transform_6(%arg0: i32) -> (i32, i32) {
    %c0_i32 = arith.constant 0 : i32
    %c0_i32_0 = arith.constant 0 : i32
    %c0_i32_1 = arith.constant 0 : i32
    return %c0_i32, %c0_i32_0 : i32, i32
  }
  func.func @transform_7(%arg0: i32) -> (i32, i32) {
    %c0_i32 = arith.constant 0 : i32
    %c0_i32_0 = arith.constant 0 : i32
    %c0_i32_1 = arith.constant 0 : i32
    return %c0_i32, %c0_i32_0 : i32, i32
  }
  func.func @transform_8(%arg0: i32) -> (i32, i32) {
    %c0_i32 = arith.constant 0 : i32
    %c0_i32_0 = arith.constant 0 : i32
    %c0_i32_1 = arith.constant 0 : i32
    return %c0_i32, %c0_i32_0 : i32, i32
  }
  func.func @transform_9(%arg0: i32) -> (i32, i32) {
    %c0_i32 = arith.constant 0 : i32
    %c0_i32_0 = arith.constant 0 : i32
    %c0_i32_1 = arith.constant 0 : i32
    return %c0_i32, %c0_i32_0 : i32, i32
  }
  func.func @transform_10(%arg0: i32) -> (i32, i32) {
    %c0_i32 = arith.constant 0 : i32
    %c0_i32_0 = arith.constant 0 : i32
    return %arg0, %c0_i32 : i32, i32
  }
}

</mosaic_0001>

<sc_bundles>
// kernel: kernel.6.cloned.1.call-start
scs
__scs_entry_jumppad:
0x0: {  	(pc) =	sbr.rel $0x88, $3  }
0x1: {  	(tag) =	ssettag $0x0;
	lr =	simm.s32 $0x1  }
0x2: {  	[smem:$0x3F93] =	sst lr;
	_ =	strace $0xD0000000  }
0x3: {  	_ = 	snop  }
0x4: {  	_ = 	snop  }
0x5: {  	_ = 	snop  }
0x6: {  	_ = 	snop  }
0x7: {  	_ = 	snop  }
__scs_overlays_trampoline_lowered:
0x8: {  	[smem:$0x3FA2] =	sst s0  }
0x9: {  	[smem:$0x3FA3] =	sst s1  }
0xa: {  	[smem:$0x3FA4] =	sst s2  }
0xb: {  	[smem:$0x3FA5] =	sst s3  }
0xc: {  	[smem:$0x3FA6] =	sst s4  }
0xd: {  	[smem:$0x3FA7] =	sst s5  }
0xe: {  	[smem:$0x3FA8] =	sst s6  }
0xf: {  	[smem:$0x3FA9] =	sst s7  }
0x10: {  	[smem:$0x3FAA] =	sst s8  }
0x11: {  	[smem:$0x3FAB] =	sst s9;
	s0 =	simm.s32 @!p0 $0x0  }
0x12: {  	s1 =	sld [smem:$0x3F91];
	s0 =	simm.s32 @p0 $0x1  }
0x13: {  	[smem:$0x3FAC] =	sst s0;
	s0 =	simm.s32 @!p1 $0x0  }
0x14: {  	s2 =	sld [smem:$0x3F90];
	s0 =	simm.s32 @p1 $0x1  }
0x15: {  	[smem:$0x3FAD] =	sst s0;
	s0 =	simm.s32 @!p2 $0x0  }
0x16: {  	s3 =	sld [smem:$0x3FDB];
	s0 =	simm.s32 @p2 $0x1  }
0x17: {  	s4 =	simm.s32 $0x1BF5;
	[smem:$0x3FAF] =	sst s0  }
0x18: {  	s0 =	sld [smem:$0x3F92];
	_ =	swait.ge [sflag:s4], $0x0  }
0x19: {  	s7 =	sld [smem:$0x3F93]  }
0x1a: {  	s8 =	sadd.s32 $0xFFFFE003, lr  }
0x1b: {  	s9 =	sadd.s32 $0xFFFFFEF7, lr;
	s5 =	simm.s32 $0xFFFFFFFF;
	p2 =	slt.u32 s8, $0xFFFFF086  }
0x1c: {  	p1 =	slt.u32 s9, $0xF7A;
	s5 =	simm.s32 @!p2 $0x0  }
0x1d: {  	s5 =	simm.s32 @p1 $0x1;
	p0 =	seq.s32 s7, s2  }
0x1e: {  	s7 =	smul.u32 @!p0 $0xF7A, s2;
	p2 =	seq.s32 @!p0 s5, $0x0  }
0x1f: {  	s9 =	smul.u32 $0xF7A, s1;
	s8 =	simm.s32 @!p0 $0x1BF5;
	p2 =	por !p2, p0  }
0x20: {  	[sflag:s8] =	ssyncset.s32 @!p0 $0xFFFFF086;
	s6 =	sadd.s32 @!p0 s3, s7;
	s7 =	simm.s32 @!p0 $0x108  }
0x21: {  	s3 =	sadd.s32 s3, s9;
	s6 =	sadd.s32 @!p0 $0x88, s6;
	s7 =	simm.s32 @p2 $0x1082  }
0x22: {  	[simem:s7], [sflag:s8] =	dma.local @!p0 [hbm:s6], $0xF7A  }
0x23: {  	s9 =	sor.u32 $0xD0000000, s2;
	s6 =	simm.s32 $0x108;
	_ =	swait.ge @!p0 [sflag:s8], $0x0  }
0x24: {  	s3 =	sadd.s32 $0x88, s3;
	s6 =	simm.s32 @!p1 $0x1082;
	[sflag:s4] =	ssyncset.s32 $0xFFFFF086  }
0x25: {  	[simem:s6], [sflag:s4] =	dma.local [hbm:s3], $0xF7A  }
0x26: {  	[smem:$0x3F93] =	sst s1;
	(tag) =	ssettag s2;
	_ =	strace s9  }
0x27: {  	s1 =	sld [smem:$0x3FA3]  }
0x28: {  	s2 =	sld [smem:$0x3FA4]  }
0x29: {  	s4 =	sld [smem:$0x3FA6]  }
0x2a: {  	p0 =	seq.s32 s5, $0x0;
	s5 =	sld [smem:$0x3FA7]  }
0x2b: {  	s6 =	sld [smem:$0x3FA8]  }
0x2c: {  	s7 =	sld [smem:$0x3FA9]  }
0x2d: {  	s3 =	simm.s32 $0x108;
	s8 =	sld [smem:$0x3FAA]  }
0x2e: {  	s3 =	simm.s32 @!p0 $0x1082;
	s9 =	sld [smem:$0x3FAB]  }
0x2f: {  	lr =	sadd.s32 s0, s3;
	s0 =	sld [smem:$0x3FA2]  }
0x30: {  	s3 =	sld [smem:$0x3FA5]  }
0x31: {  	[smem:$0x3FAE] =	sst s10  }
0x32: {  	s10 =	sld [smem:$0x3FAC];
	_ =	sdelay $0x3  }
0x33: {  	p0 =	seq.s32 s10, $0x1;
	s10 =	sld [smem:$0x3FAE];
	_ =	sdelay $0x3  }
0x34: {  	[smem:$0x3FAE] =	sst s10  }
0x35: {  	s10 =	sld [smem:$0x3FAD];
	_ =	sdelay $0x3  }
0x36: {  	p1 =	seq.s32 s10, $0x1;
	s10 =	sld [smem:$0x3FAE];
	_ =	sdelay $0x3  }
0x37: {  	[smem:$0x3FAE] =	sst s10  }
0x38: {  	s10 =	sld [smem:$0x3FAF]  }
0x39: {  	_ = 	snop;
	(pc) =	sbr.ind lr, $3  }
0x3a: {  	_ = 	snop  }
0x3b: {  	_ = 	snop  }
0x3c: {  	p2 =	seq.s32 s10, $0x1;
	s10 =	sld [smem:$0x3FAE]  }
0x3d: {  	_ =	shalt  }
0x3e: {  	_ =	shalt  }
0x3f: {  	_ =	shalt  }
0x40: {  	_ =	shalt  }
0x41: {  	_ =	shalt  }
0x42: {  	_ =	shalt  }
0x43: {  	_ =	shalt  }
0x44: {  	_ =	shalt  }
0x45: {  	_ =	shalt  }
0x46: {  	_ =	shalt  }
0x47: {  	_ =	shalt  }
0x48: {  	_ =	shalt  }
0x49: {  	_ =	shalt  }
0x4a: {  	_ =	shalt  }
0x4b: {  	_ =	shalt  }
0x4c: {  	_ =	shalt  }
0x4d: {  	_ =	shalt  }
0x4e: {  	_ =	shalt  }
0x4f: {  	_ =	shalt  }
0x50: {  	_ =	shalt  }
0x51: {  	_ =	shalt  }
0x52: {  	_ =	shalt  }
0x53: {  	_ =	shalt  }
0x54: {  	_ =	shalt  }
0x55: {  	_ =	shalt  }
0x56: {  	_ =	shalt  }
0x57: {  	_ =	shalt  }
0x58: {  	_ =	shalt  }
0x59: {  	_ =	shalt  }
0x5a: {  	_ =	shalt  }
0x5b: {  	_ =	shalt  }
0x5c: {  	_ =	shalt  }
0x5d: {  	_ =	shalt  }
0x5e: {  	_ =	shalt  }
0x5f: {  	_ =	shalt  }
0x60: {  	_ =	shalt  }
0x61: {  	_ =	shalt  }
0x62: {  	_ =	shalt  }
0x63: {  	_ =	shalt  }
0x64: {  	_ =	shalt  }
0x65: {  	_ =	shalt  }
0x66: {  	_ =	shalt  }
0x67: {  	_ =	shalt  }
0x68: {  	_ =	shalt  }
0x69: {  	_ =	shalt  }
0x6a: {  	_ =	shalt  }
0x6b: {  	_ =	shalt  }
0x6c: {  	_ =	shalt  }
0x6d: {  	_ =	shalt  }
0x6e: {  	_ =	shalt  }
0x6f: {  	_ =	shalt  }
0x70: {  	_ =	shalt  }
0x71: {  	_ =	shalt  }
0x72: {  	_ =	shalt  }
0x73: {  	_ =	shalt  }
0x74: {  	_ =	shalt  }
0x75: {  	_ =	shalt  }
0x76: {  	_ =	shalt  }
0x77: {  	_ =	shalt  }
0x78: {  	_ =	shalt  }
0x79: {  	_ =	shalt  }
0x7a: {  	_ =	shalt  }
0x7b: {  	_ =	shalt  }
0x7c: {  	_ =	shalt  }
0x7d: {  	_ =	shalt  }
0x7e: {  	_ =	shalt  }
0x7f: {  	_ =	shalt  }
0x80: {  	_ =	shalt  }
0x81: {  	_ =	shalt  }
0x82: {  	_ =	shalt  }
0x83: {  	_ =	shalt  }
0x84: {  	_ =	shalt  }
0x85: {  	_ =	shalt  }
0x86: {  	_ =	shalt  }
0x87: {  	_ =	shalt  }
.Lfunc_end0:
.L_simem_size_0:
called_computation_lowered:
.L_overlay_start_0:
0x88: {  	s2 =	sld [smem:$0x3FD9]  }
0x89: {  	s3 =	sld [smem:$0x3FFE];
	_ =	sdelay $0x1  }
0x8a: {  	s1 =	srdreg.scid  }
0x8b: {  	s0 =	sand.u32 $0x1, s1  }
0x8c: {  	s16 =	sshll.u32 s0, $0xA;
	s2 =	sadd.s32 s3, s2  }
0x8d: {  	s2 =	sadd.s32 s2, s16  }
0x8e: {  	[smem:$0x3FBA] =	sst s2  }
0x8f: {  	_ = 	snop  }
0x90: {  	(tm) =	ssettm $0x1  }
0x91: {  	s17 =	sld [smem:$0x3FFB];
	_ =	sdelay $0x3  }
0x92: {  	_ =	strace s17  }
0x93: {  	s2 =	sld [smem:$0x3FFC];
	_ =	sdelay $0x3  }
0x94: {  	_ =	strace s2  }
0x95: {  	s2 =	sld [smem:$0x3FFD];
	_ =	sdelay $0x3  }
0x96: {  	_ =	strace s2  }
0x97: {  	_ =	strace $0x8FFFFFFF  }
0x98: {  	s18 =	sld [smem:$0x3FDB];
	_ =	sdelay $0x1  }
0x99: {  	s19 =	simm.s32 $_scs_section_size  }
0x9a: {  	s4 =	simm.s32 $_size__tile_overlayer_lowered;
	s5 =	simm.s32 $_tile_overlayer_lowered  }
0x9b: {  	s22 =	simm.s32 $0x1BFF;
	s21 =	sshll.u32 s5, $0x1;
	s2 =	sadd.s32 s19, s18  }
0x9c: {  	s6 =	simm.s32 $0x0;
	s20 =	sshll.u32 s4, $0x1;
	s4 =	sadd.s32 s21, s2  }
0x9d: {  	[timem:s6], [sflag:s22] =	dma.local [hbm:s4], s20  }
0x9e: {  	_ =	swait.ge [sflag:s22], s20  }
0x9f: {  	s3 =	ssub.s32 $0x0, s20;
	[sflag:s22] =	ssyncset.done $0x0  }
0xa0: {  	[sflag:s22] =	ssyncadd.s32 s3;
	_ =	sdelay $0x1  }
0xa1: {  	s23 =	simm.s32 $0x1B8B  }
0xa2: {  	_ =	swait.ge [sflag:s23], $0x1  }
0xa3: {  	[sflag:s23] =	ssyncset.done $0x0  }
0xa4: {  	s25 =	simm.s32 $0x1B8E;
	s24 =	sld [smem:$0x3FFE];
	[sflag:s23] =	ssyncadd.s32 $0xFFFFFFFF  }
0xa5: {  	s26 =	simm.s32 $execute0_lowered;
	[smem:$0x3FD2] =	sst s25  }
0xa6: {  	s4 =	sshll.u32 s26, $0x1;
	_ =	strace $0x80000046;
	[dreg:$0x1] =	wrdreg $0xFFFFFFFF  }
0xa7: {  	s28 =	simm.s32 $_size_execute0_lowered;
	s2 =	sadd.s32 s2, s4;
	[dreg:$0x0] =	wrdreg $0x0  }
0xa8: {  	s4 =	sshll.u32 s28, $0x1;
	[dreg:$0x2] =	wrdreg s2  }
0xa9: {  	[dreg:$0x3] =	wrdreg s4  }
0xaa: {  	[dreg:$0x4] =	wrdreg $0xC0  }
0xab: {  	_ =	task [dreg:s6], $0x5FFFF  }
0xac: {  	[dreg:$0x1] =	wrdreg $0xFFFFFFFF  }
0xad: {  	[dreg:$0x0] =	wrdreg $0x60  }
0xae: {  	[dreg:$0x2] =	wrdreg s24  }
0xaf: {  	[dreg:$0x3] =	wrdreg $0xA7800  }
0xb0: {  	[dreg:$0x4] =	wrdreg $0x9  }
0xb1: {  	_ =	task.clear_ibuf [dreg:s6], $0x5FFFF;
	_ =	strace $0x90000046  }
0xb2: {  	s29 =	simm.s32 $0x9;
	_ =	strace $0x80000048  }
0xb3: {  	_ =	swait.ge [sflag:s29], $0x1  }
0xb4: {  	[sflag:s29] =	ssyncadd.s32 $0xFFFFFFFF  }
0xb5: {  	_ =	strace $0x90000048  }
0xb6: {  	_ =	sfence  }
0xb7: {  	s30 =	sld [smem:$0x0];
	_ =	sdelay $0x2  }
0xb8: {  	s31 =	sshll.u32 s1, $0xD;
	s1 =	sshrl.u32 s1, $0x2  }
0xb9: {  	s3 =	sand.u32 $0x4000, s31;
	s1 =	sadd.s32 s1, s30  }
0xba: {  	s0 =	sor.u32 s3, s0;
	s1 =	sshll.u32 s1, $0x11  }
0xbb: {  	s0 =	sor.u32 s1, s0  }
0xbc: {  	s0 =	sadd.s32 $0x8F2B, s0  }
0xbd: {  	[sflag:s0] =	ssyncadd.remote.s32 $0x1  }
0xbe: {  	_ =	sfence.sel $0xFFFF  }
0xbf: {  	[dreg:$0x0] =	wrdreg $0xFFFFFFFF;
	(pc) =	sbr.abs _section_cstart, $3  }
0xc0: {  	[dreg:$0x1] =	wrdreg $0xFFFFFFFF  }
0xc1: {  	_ =	task.clear_ibuf [dreg:s6], $0x2FFFF;
	_ =	strace $0x9FFFFFFF  }
0xc2: {  	(tm) =	ssettm $0x7FFFFFFF  }
0xc3: {  	_ =	shalt  }
tec
execute0_lowered:
.L_overlay_start_1:
0x0: {  	(tag) =	ssettag $0x1  }
0x1: {  	s0 =	srdreg.scid;
	s6 =	rddreg [dreg:$0x0]  }
0x2: {  	s2 =	rddreg [dreg:$0x1];
	s13 =	simm.s32 $0x400;
	s14 =	simm.s32 $0x2780  }
0x3: {  	s15 =	simm.s32 $0x50;
	s16 =	simm.s32 $0x4F80;
	s17 =	simm.s32 $0x7780  }
0x4: {  	s18 =	simm.s32 $0x1;
	s5 =	sand.u32 $0x1, s0;
	s0 =	stileid.u32  }
0x5: {  	s19 =	simm.s32 $0x4F00;
	s20 =	simm.s32 $0x2;
	s8 =	smul.u32 $0x2800, s0  }
0x6: {  	s1 =	sshll.u32 s5, $0x4;
	s7 =	sshll.u32 s0, $0x7;
	s30 =	smul.u32 $0x28000, s5  }
0x7: {  	s10 =	smul.u32 $0x50000, s0;
	s5 =	ssub.s32 $0x2, s5;
	s1 =	sor.u32 s0, s1  }
0x8: {  	s7 =	sand.u32 $0x380, s7;
	s31 =	sshrl.u32 s5, $0x1;
	s3 =	sshrl.u32 s1, $0x3  }
0x9: {  	s1 =	rddreg [dreg:$0x2];
	s10 =	sshrl.u32 s10, $0x2;
	s4 =	smul.u32 $0x13C00, s3  }
0xa: {  	s12 =	ssub.s32 s5, s31;
	s3 =	simm.s32 $0x0;
	s5 =	sadd.s32 s10, s2  }
0xb: {  	s10 =	simm.s32 $0x9F80;
	[smem:$0x7FF] =	sst s3;
	s4 =	sor.u32 s7, s4  }
0xc: {  	_ =	strace $0x80000047;
	s7 =	sadd.s32 s8, s30;
	s9 =	sshrl.u32 s4, $0x3  }
0xd: {  	s4 =	sadd.s32 $0x15200, s6;
	s11 =	sadd.s32 s7, s6;
	s9 =	sadd.s32 s9, s6  }
0xe: {  	s8 =	sadd.s32 $0x3C400, s11;
	s11 =	simm.s32 $0x3;
	s6 =	sadd.s32 $0xB400, s9  }
0xf: {  	v0 =	vimm.f32 $0.0e+00;
	s7 =	sadd.s32 $0x1600, s9;
	s9 =	smax.u32 s12, $0x1;
	s12 =	simm.s32 $0x80  }
.LBB2_1:
0x10: {  	s21 =	simm.s32 $0x0;
	s22 =	simm.s32 $0x0  }
.LBB2_2:
0x11: {  	p0 =	sne.s32 s22, $0x1FC0  }
.Ltmp0:
0x12: {  	_ = 	snop;
	(pc) =	sbr.rel @p0 .LBB2_2-.Ltmp0, $4  }
0x13: {  	s23 =	sand.u32 $0x1E00, s22  }
0x14: {  	s24 =	sand.u32 $0x70, s21;
	s23 =	sshrl.u32 s23, $0x2  }
0x15: {  	s23 =	sor.u32 s24, s23  }
0x16: {  	s21 =	sadd.s32 $0x10, s21;
	s22 =	sadd.s32 $0x40, s22;
	[tilespmem:s23+$0x9F80] =	vst v0  }
0x17: {  	s21 =	sadd.s32 $0x0, s5  }
0x18: {  	[spmem:s21] =	stream.linear.scatter [tilespmem:s10], [sflag:$0x3], $0x800, $0x38;
	[tilespmem:$0x1E780] =	vst v63  }
0x19: {  	s21 =	simm.s32 $0x2000;
	_ =	swait.ge [sflag:s11], $0x800  }
.LBB2_4:
0x1a: {  	s22 =	sshra.s32 s21, $0x2;
	[sflag:s11] =	ssyncset.done $0x0;
	p0 =	sne.s32 s21, $0x4E000  }
.Ltmp1:
0x1b: {  	s22 =	sadd.s32 s22, s5;
	[sflag:s11] =	ssyncadd.s32 $0xFFFFF800;
	(pc) =	sbr.rel @p0 .LBB2_4-.Ltmp1, $3  }
0x1c: {  	[spmem:s22] =	stream.linear.scatter [tilespmem:s10], [sflag:$0x3], $0x800, $0x38;
	[tilespmem:$0x1E780] =	vst v63  }
0x1d: {  	s21 =	sadd.s32 $0x2000, s21;
	_ =	sdelay $0x1  }
0x1e: {  	_ =	swait.ge [sflag:s11], $0x800  }
0x1f: {  	[sflag:s11] =	ssyncset.done $0x0  }
0x20: {  	s22 =	simm.s32 $0x0;
	[sflag:s11] =	ssyncadd.s32 $0xFFFFF800  }
0x21: {  	[tilespmem:s22], [sflag:$0x3] =	stream.strided.gather [hbm4b:s6+s12], $0x2780, s13, s12, $0x38;
	[tilespmem:$0x1E780] =	vst v63  }
0x22: {  	_ =	swait.ge [sflag:s11], $0x2780  }
0x23: {  	[sflag:s11] =	ssyncset.done $0x0  }
0x24: {  	[sflag:s11] =	ssyncadd.s32 $0xFFFFD880  }
0x25: {  	[tilespmem:s14], [sflag:$0x3] =	stream.strided.gather [hbm4b:s7+s12], $0x2780, s13, s12, $0x38;
	[tilespmem:$0x1E780] =	vst v63  }
0x26: {  	_ =	swait.ge [sflag:s11], $0x2780  }
0x27: {  	[sflag:s11] =	ssyncset.done $0x0  }
0x28: {  	[sflag:s11] =	ssyncadd.s32 $0xFFFFD880  }
0x29: {  	[bflag:$0x0] =	sbarrier.arrive $0xFFFF  }
0x2a: {  	[tilespmem:s16], [sflag:$0x1] =	stream.indirect.gather [hbm4b:s4+s15], $0x80, s22, s15, $0xb8;
	[tilespmem:$0x1E780] =	vst v63  }
0x2b: {  	s21 =	simm.s32 $0x50  }
0x2c: {  	[tilespmem:s17], [sflag:$0x2] =	stream.indirect.gather [hbm4b:s4+s15], $0x80, s21, s15, $0xb8;
	[tilespmem:$0x1E780] =	vst v63  }
0x2d: {  	_ =	swait.ge [sflag:s18], $0x2800  }
0x2e: {  	[sflag:s18] =	ssyncset.done $0x0  }
0x2f: {  	s21 =	simm.s32 $0x27D0;
	[sflag:s18] =	ssyncadd.s32 $0xFFFFD800  }
0x30: {  	v1 =	vld [tilespmem:s21+$0xFFFFFFB0];
	_ =	sdelay $0x4  }
0x31: {  	[tilespmem:$0x4F00] =	vst v1  }
0x32: {  	v1 =	vld [tilespmem:s21+$0xFFFFFFC0];
	_ =	sdelay $0x4  }
0x33: {  	[tilespmem:$0x4F10] =	vst v1  }
0x34: {  	v1 =	vld [tilespmem:s21+$0xFFFFFFD0];
	_ =	sdelay $0x4  }
0x35: {  	[tilespmem:$0x4F20] =	vst v1  }
0x36: {  	v1 =	vld [tilespmem:s21+$0xFFFFFFE0];
	_ =	sdelay $0x4  }
0x37: {  	[tilespmem:$0x4F30] =	vst v1  }
0x38: {  	v1 =	vld [tilespmem:s21+$0xFFFFFFF0];
	_ =	sdelay $0x4  }
0x39: {  	[tilespmem:$0x4F40] =	vst v1  }
0x3a: {  	[spmem:s2] =	stream.indirect.scatter.add.f32 [tilespmem:s16], [sflag:$0x3], $0x80, s19, s15, $0xb8;
	[tilespmem:$0x1E780] =	vst v63  }
0x3b: {  	_ =	swait.ge [sflag:s11], $0x2800  }
0x3c: {  	[sflag:s11] =	ssyncset.done $0x0  }
0x3d: {  	s23 =	simm.s32 $0xA0;
	[sflag:s11] =	ssyncadd.s32 $0xFFFFD800  }
0x3e: {  	[tilespmem:s16], [sflag:$0x1] =	stream.indirect.gather [hbm4b:s4+s15], $0x80, s23, s15, $0xb8;
	[tilespmem:$0x1E780] =	vst v63  }
0x3f: {  	_ =	swait.ge [sflag:s20], $0x2800  }
0x40: {  	[sflag:s20] =	ssyncset.done $0x0  }
0x41: {  	[sflag:s20] =	ssyncadd.s32 $0xFFFFD800  }
0x42: {  	v1 =	vld [tilespmem:s21+$0x0];
	_ =	sdelay $0x4  }
0x43: {  	[tilespmem:$0x4F00] =	vst v1  }
0x44: {  	v1 =	vld [tilespmem:s21+$0x10];
	_ =	sdelay $0x4  }
0x45: {  	[tilespmem:$0x4F10] =	vst v1  }
0x46: {  	v1 =	vld [tilespmem:s21+$0x20];
	_ =	sdelay $0x4  }
0x47: {  	s22 =	sand.u32 $0x3FE0, s22;
	[tilespmem:$0x4F20] =	vst v1  }
0x48: {  	v1 =	vld [tilespmem:s22+$0x2800];
	_ =	sdelay $0x4  }
0x49: {  	[tilespmem:$0x4F30] =	vst v1  }
0x4a: {  	v1 =	vld [tilespmem:s21+$0x40];
	_ =	sdelay $0x4  }
0x4b: {  	[tilespmem:$0x4F40] =	vst v1  }
0x4c: {  	[spmem:s2] =	stream.indirect.scatter.add.f32 [tilespmem:s17], [sflag:$0x3], $0x80, s19, s15, $0xb8;
	[tilespmem:$0x1E780] =	vst v63  }
0x4d: {  	s24 =	simm.s32 $0x140;
	_ =	swait.ge [sflag:s11], $0x2800  }
0x4e: {  	s23 =	simm.s32 $0x140;
	s22 =	simm.s32 $0xA0;
	[sflag:s11] =	ssyncset.done $0x0  }
.LBB2_6:
0x4f: {  	s26 =	sadd.s32 $0xFFFFFFB0, s23  }
0x50: {  	[sflag:s11] =	ssyncadd.s32 $0xFFFFD800;
	s21 =	sadd.s32 $0xA0, s21;
	s25 =	smov.u32 s24  }
0x51: {  	[tilespmem:s17], [sflag:$0x2] =	stream.indirect.gather [hbm4b:s4+s15], $0x80, s26, s15, $0xb8;
	[tilespmem:$0x1E780] =	vst v63  }
0x52: {  	p0 =	sne.s32 s24, $0x2620;
	s24 =	sadd.s32 $0xA0, s24;
	_ =	swait.ge [sflag:s18], $0x2800  }
0x53: {  	[sflag:s18] =	ssyncset.done $0x0  }
0x54: {  	[sflag:s18] =	ssyncadd.s32 $0xFFFFD800  }
0x55: {  	v1 =	vld [tilespmem:s21+$0xFFFFFFB0];
	_ =	sdelay $0x4  }
0x56: {  	[tilespmem:$0x4F00] =	vst v1  }
0x57: {  	v1 =	vld [tilespmem:s21+$0xFFFFFFC0];
	_ =	sdelay $0x4  }
0x58: {  	[tilespmem:$0x4F10] =	vst v1  }
0x59: {  	v1 =	vld [tilespmem:s21+$0xFFFFFFD0];
	_ =	sdelay $0x4  }
0x5a: {  	[tilespmem:$0x4F20] =	vst v1  }
0x5b: {  	v1 =	vld [tilespmem:s21+$0xFFFFFFE0];
	_ =	sdelay $0x4  }
0x5c: {  	[tilespmem:$0x4F30] =	vst v1  }
0x5d: {  	v1 =	vld [tilespmem:s21+$0xFFFFFFF0];
	_ =	sdelay $0x4  }
0x5e: {  	[tilespmem:$0x4F40] =	vst v1  }
0x5f: {  	[spmem:s2] =	stream.indirect.scatter.add.f32 [tilespmem:s16], [sflag:$0x3], $0x80, s19, s15, $0xb8;
	[tilespmem:$0x1E780] =	vst v63  }
0x60: {  	_ =	swait.ge [sflag:s11], $0x2800  }
0x61: {  	[sflag:s11] =	ssyncset.done $0x0  }
0x62: {  	[sflag:s11] =	ssyncadd.s32 $0xFFFFD800  }
0x63: {  	[tilespmem:s16], [sflag:$0x1] =	stream.indirect.gather [hbm4b:s4+s15], $0x80, s23, s15, $0xb8;
	[tilespmem:$0x1E780] =	vst v63  }
0x64: {  	_ =	swait.ge [sflag:s20], $0x2800  }
0x65: {  	[sflag:s20] =	ssyncset.done $0x0  }
0x66: {  	[sflag:s20] =	ssyncadd.s32 $0xFFFFD800  }
0x67: {  	v1 =	vld [tilespmem:s21+$0x0];
	_ =	sdelay $0x4  }
0x68: {  	[tilespmem:$0x4F00] =	vst v1  }
0x69: {  	v1 =	vld [tilespmem:s21+$0x10];
	_ =	sdelay $0x4  }
0x6a: {  	[tilespmem:$0x4F10] =	vst v1  }
0x6b: {  	v1 =	vld [tilespmem:s21+$0x20];
	_ =	sdelay $0x4  }
0x6c: {  	s26 =	sand.u32 $0x3FE0, s22;
	s22 =	smov.u32 s25;
	[tilespmem:$0x4F20] =	vst v1  }
0x6d: {  	v1 =	vld [tilespmem:s26+$0x2800];
	_ =	sdelay $0x4  }
0x6e: {  	[tilespmem:$0x4F30] =	vst v1  }
0x6f: {  	v1 =	vld [tilespmem:s21+$0x40];
	_ =	sdelay $0x3  }
.Ltmp2:
0x70: {  	(pc) =	sbr.rel @p0 .LBB2_6-.Ltmp2, $4  }
0x71: {  	[tilespmem:$0x4F40] =	vst v1  }
0x72: {  	[spmem:s2] =	stream.indirect.scatter.add.f32 [tilespmem:s17], [sflag:$0x3], $0x80, s19, s15, $0xb8;
	[tilespmem:$0x1E780] =	vst v63  }
0x73: {  	_ =	swait.ge [sflag:s11], $0x2800  }
0x74: {  	s23 =	sadd.s32 $0xA0, s23;
	[sflag:s11] =	ssyncset.done $0x0  }
0x75: {  	s24 =	sadd.s32 $0xFFFFFFB0, s23;
	[sflag:s11] =	ssyncadd.s32 $0xFFFFD800  }
0x76: {  	[tilespmem:s17], [sflag:$0x2] =	stream.indirect.gather [hbm4b:s4+s15], $0x80, s24, s15, $0xb8;
	[tilespmem:$0x1E780] =	vst v63  }
0x77: {  	_ =	swait.ge [sflag:s18], $0x2800  }
0x78: {  	[sflag:s18] =	ssyncset.done $0x0  }
0x79: {  	s21 =	sadd.s32 $0xA0, s21;
	[sflag:s18] =	ssyncadd.s32 $0xFFFFD800  }
0x7a: {  	v1 =	vld [tilespmem:s21+$0xFFFFFFB0];
	_ =	sdelay $0x4  }
0x7b: {  	[tilespmem:$0x4F00] =	vst v1  }
0x7c: {  	v1 =	vld [tilespmem:s21+$0xFFFFFFC0];
	_ =	sdelay $0x4  }
0x7d: {  	[tilespmem:$0x4F10] =	vst v1  }
0x7e: {  	v1 =	vld [tilespmem:s21+$0xFFFFFFD0];
	_ =	sdelay $0x4  }
0x7f: {  	[tilespmem:$0x4F20] =	vst v1  }
0x80: {  	v1 =	vld [tilespmem:s21+$0xFFFFFFE0];
	_ =	sdelay $0x4  }
0x81: {  	[tilespmem:$0x4F30] =	vst v1  }
0x82: {  	v1 =	vld [tilespmem:s21+$0xFFFFFFF0];
	_ =	sdelay $0x4  }
0x83: {  	[tilespmem:$0x4F40] =	vst v1  }
0x84: {  	[spmem:s2] =	stream.indirect.scatter.add.f32 [tilespmem:s16], [sflag:$0x3], $0x80, s19, s15, $0xb8;
	[tilespmem:$0x1E780] =	vst v63  }
0x85: {  	_ =	swait.ge [sflag:s11], $0x2800  }
0x86: {  	[sflag:s11] =	ssyncset.done $0x0  }
0x87: {  	[sflag:s11] =	ssyncadd.s32 $0xFFFFD800  }
0x88: {  	[tilespmem:s16], [sflag:$0x1] =	stream.indirect.gather [hbm4b:s4+s15], $0x80, s23, s15, $0xb8;
	[tilespmem:$0x1E780] =	vst v63  }
0x89: {  	_ =	swait.ge [sflag:s20], $0x2800  }
0x8a: {  	[sflag:s20] =	ssyncset.done $0x0  }
0x8b: {  	[sflag:s20] =	ssyncadd.s32 $0xFFFFD800  }
0x8c: {  	v1 =	vld [tilespmem:s21+$0x0];
	_ =	sdelay $0x4  }
0x8d: {  	[tilespmem:$0x4F00] =	vst v1  }
0x8e: {  	v1 =	vld [tilespmem:s21+$0x10];
	_ =	sdelay $0x4  }
0x8f: {  	[tilespmem:$0x4F10] =	vst v1  }
0x90: {  	v1 =	vld [tilespmem:s21+$0x20];
	_ =	sdelay $0x4  }
0x91: {  	s22 =	sand.u32 $0x3FE0, s22;
	[tilespmem:$0x4F20] =	vst v1  }
0x92: {  	v1 =	vld [tilespmem:s22+$0x2800];
	_ =	sdelay $0x4  }
0x93: {  	[tilespmem:$0x4F30] =	vst v1  }
0x94: {  	v1 =	vld [tilespmem:s21+$0x40];
	_ =	sdelay $0x4  }
0x95: {  	[tilespmem:$0x4F40] =	vst v1  }
0x96: {  	[spmem:s2] =	stream.indirect.scatter.add.f32 [tilespmem:s17], [sflag:$0x3], $0x80, s19, s15, $0xb8;
	[tilespmem:$0x1E780] =	vst v63  }
0x97: {  	_ =	swait.ge [sflag:s11], $0x2800  }
0x98: {  	[sflag:s11] =	ssyncset.done $0x0  }
0x99: {  	[sflag:s11] =	ssyncadd.s32 $0xFFFFD800  }
0x9a: {  	_ =	swait.ge [sflag:s18], $0x2800  }
0x9b: {  	[sflag:s18] =	ssyncset.done $0x0  }
0x9c: {  	[sflag:s18] =	ssyncadd.s32 $0xFFFFD800  }
0x9d: {  	v1 =	vld [tilespmem:$0x4E40]  }
0x9e: {  	v2 =	vld [tilespmem:$0x4E50]  }
0x9f: {  	v3 =	vld [tilespmem:$0x4E60]  }
0xa0: {  	v4 =	vld [tilespmem:$0x4E70]  }
0xa1: {  	v5 =	vld [tilespmem:$0x4E80]  }
0xa2: {  	[tilespmem:$0x4F00] =	vst v1  }
0xa3: {  	[tilespmem:$0x4F10] =	vst v2  }
0xa4: {  	[tilespmem:$0x4F20] =	vst v3  }
0xa5: {  	[tilespmem:$0x4F30] =	vst v4  }
0xa6: {  	[tilespmem:$0x4F40] =	vst v5  }
0xa7: {  	[spmem:s2] =	stream.indirect.scatter.add.f32 [tilespmem:s16], [sflag:$0x3], $0x80, s19, s15, $0xb8;
	[tilespmem:$0x1E780] =	vst v63  }
0xa8: {  	_ =	swait.ge [sflag:s11], $0x2800  }
0xa9: {  	s30 =	sshll.u32 s0, $0x6;
	s3 =	sadd.s32 $0x1, s3;
	[sflag:s11] =	ssyncset.done $0x0  }
0xaa: {  	s31 =	sshrl.u32 s5, $0x3;
	p0 =	sne.s32 s3, s9;
	[sflag:s11] =	ssyncadd.s32 $0xFFFFD800  }
.Ltmp3:
0xab: {  	s21 =	sor.u32 $0x1C03, s30;
	[bflag:$0x0] =	sbarrier.arrive $0xFFFF;
	(pc) =	sbr.rel @p0 .LBB2_1-.Ltmp3, $4  }
0xac: {  	[hbm:s8], [sflag:s21] =	dma.local [spmem:s31], $0x2800  }
0xad: {  	_ =	swait.ge [sflag:s11], $0x2800  }
0xae: {  	[sflag:s11] =	ssyncset.done $0x0  }
0xaf: {  	[sflag:s11] =	ssyncadd.s32 $0xFFFFD800  }
0xb0: {  	_ =	sfence.sel $0x180000  }
0xb1: {  	[bflag:$0x0] =	sbarrier.arrive $0xFFFF  }
0xb2: {  	p0 =	sne.s32 s0, $0x0;
	_ =	strace $0x90000047  }
0xb3: {  	s0 =	sadd.s32 @!p0 $0x100000, s1;
	[bflag:$0x2] =	sbarrier.arrive $0xFFFF  }
0xb4: {  	[sflag:s0] =	ssyncadd.tile.s32 @!p0 $0x1;
	_ =	shalt  }
.Lfunc_end2:
_tile_overlayer_lowered:
.L_overlay_start_2:
0xb5: {  	(tag) =	ssettag $0x2  }
0xb6: {  	s0 =	rddreg [dreg:$0x0];
	s2 =	stileid.u32  }
0xb7: {  	s1 =	rddreg [dreg:$0x1];
	p0 =	sne.s32 s2, $0x0  }
0xb8: {  	s3 =	rddreg [dreg:$0x2];
	[bflag:$0x3] =	sbarrier.arrive $0xFFFF;
	s2 =	simm.s32 @!p0 $0x1C03  }
0xb9: {  	[timem:s3], [sflag:s2] =	dma.local @!p0 [hbm:s0], s1  }
0xba: {  	s0 =	simm.s32 @!p0 $0x3  }
0xbb: {  	_ =	swait.ge @!p0 [sflag:s0], s1  }
0xbc: {  	s1 =	ssub.s32 @!p0 $0x0, s1;
	[sflag:s0] =	ssyncset.done @!p0 $0x0  }
0xbd: {  	[sflag:s0] =	ssyncadd.s32 @!p0 s1  }
0xbe: {  	[bflag:$0x3] =	sbarrier.arrive $0xFFFF  }
0xbf: {  	_ =	shalt  }

// kernel: kernel.9.cloned.1.call-start
scs
__scs_entry_jumppad:
0x0: {  	(pc) =	sbr.rel $0x88, $3  }
0x1: {  	(tag) =	ssettag $0x0;
	lr =	simm.s32 $0x1  }
0x2: {  	[smem:$0x3F93] =	sst lr;
	_ =	strace $0xD0000000  }
0x3: {  	_ = 	snop  }
0x4: {  	_ = 	snop  }
0x5: {  	_ = 	snop  }
0x6: {  	_ = 	snop  }
0x7: {  	_ = 	snop  }
__scs_overlays_trampoline_lowered:
0x8: {  	[smem:$0x3FA2] =	sst s0  }
0x9: {  	[smem:$0x3FA3] =	sst s1  }
0xa: {  	[smem:$0x3FA4] =	sst s2  }
0xb: {  	[smem:$0x3FA5] =	sst s3  }
0xc: {  	[smem:$0x3FA6] =	sst s4  }
0xd: {  	[smem:$0x3FA7] =	sst s5  }
0xe: {  	[smem:$0x3FA8] =	sst s6  }
0xf: {  	[smem:$0x3FA9] =	sst s7  }
0x10: {  	[smem:$0x3FAA] =	sst s8  }
0x11: {  	[smem:$0x3FAB] =	sst s9;
	s0 =	simm.s32 @!p0 $0x0  }
0x12: {  	s1 =	sld [smem:$0x3F91];
	s0 =	simm.s32 @p0 $0x1  }
0x13: {  	[smem:$0x3FAC] =	sst s0;
	s0 =	simm.s32 @!p1 $0x0  }
0x14: {  	s2 =	sld [smem:$0x3F90];
	s0 =	simm.s32 @p1 $0x1  }
0x15: {  	[smem:$0x3FAD] =	sst s0;
	s0 =	simm.s32 @!p2 $0x0  }
0x16: {  	s3 =	sld [smem:$0x3FDB];
	s0 =	simm.s32 @p2 $0x1  }
0x17: {  	s4 =	simm.s32 $0x1BF5;
	[smem:$0x3FAF] =	sst s0  }
0x18: {  	s0 =	sld [smem:$0x3F92];
	_ =	swait.ge [sflag:s4], $0x0  }
0x19: {  	s7 =	sld [smem:$0x3F93]  }
0x1a: {  	s8 =	sadd.s32 $0xFFFFE003, lr  }
0x1b: {  	s9 =	sadd.s32 $0xFFFFFEF7, lr;
	s5 =	simm.s32 $0xFFFFFFFF;
	p2 =	slt.u32 s8, $0xFFFFF086  }
0x1c: {  	p1 =	slt.u32 s9, $0xF7A;
	s5 =	simm.s32 @!p2 $0x0  }
0x1d: {  	s5 =	simm.s32 @p1 $0x1;
	p0 =	seq.s32 s7, s2  }
0x1e: {  	s7 =	smul.u32 @!p0 $0xF7A, s2;
	p2 =	seq.s32 @!p0 s5, $0x0  }
0x1f: {  	s9 =	smul.u32 $0xF7A, s1;
	s8 =	simm.s32 @!p0 $0x1BF5;
	p2 =	por !p2, p0  }
0x20: {  	[sflag:s8] =	ssyncset.s32 @!p0 $0xFFFFF086;
	s6 =	sadd.s32 @!p0 s3, s7;
	s7 =	simm.s32 @!p0 $0x108  }
0x21: {  	s3 =	sadd.s32 s3, s9;
	s6 =	sadd.s32 @!p0 $0x88, s6;
	s7 =	simm.s32 @p2 $0x1082  }
0x22: {  	[simem:s7], [sflag:s8] =	dma.local @!p0 [hbm:s6], $0xF7A  }
0x23: {  	s9 =	sor.u32 $0xD0000000, s2;
	s6 =	simm.s32 $0x108;
	_ =	swait.ge @!p0 [sflag:s8], $0x0  }
0x24: {  	s3 =	sadd.s32 $0x88, s3;
	s6 =	simm.s32 @!p1 $0x1082;
	[sflag:s4] =	ssyncset.s32 $0xFFFFF086  }
0x25: {  	[simem:s6], [sflag:s4] =	dma.local [hbm:s3], $0xF7A  }
0x26: {  	[smem:$0x3F93] =	sst s1;
	(tag) =	ssettag s2;
	_ =	strace s9  }
0x27: {  	s1 =	sld [smem:$0x3FA3]  }
0x28: {  	s2 =	sld [smem:$0x3FA4]  }
0x29: {  	s4 =	sld [smem:$0x3FA6]  }
0x2a: {  	p0 =	seq.s32 s5, $0x0;
	s5 =	sld [smem:$0x3FA7]  }
0x2b: {  	s6 =	sld [smem:$0x3FA8]  }
0x2c: {  	s7 =	sld [smem:$0x3FA9]  }
0x2d: {  	s3 =	simm.s32 $0x108;
	s8 =	sld [smem:$0x3FAA]  }
0x2e: {  	s3 =	simm.s32 @!p0 $0x1082;
	s9 =	sld [smem:$0x3FAB]  }
0x2f: {  	lr =	sadd.s32 s0, s3;
	s0 =	sld [smem:$0x3FA2]  }
0x30: {  	s3 =	sld [smem:$0x3FA5]  }
0x31: {  	[smem:$0x3FAE] =	sst s10  }
0x32: {  	s10 =	sld [smem:$0x3FAC];
	_ =	sdelay $0x3  }
0x33: {  	p0 =	seq.s32 s10, $0x1;
	s10 =	sld [smem:$0x3FAE];
	_ =	sdelay $0x3  }
0x34: {  	[smem:$0x3FAE] =	sst s10  }
0x35: {  	s10 =	sld [smem:$0x3FAD];
	_ =	sdelay $0x3  }
0x36: {  	p1 =	seq.s32 s10, $0x1;
	s10 =	sld [smem:$0x3FAE];
	_ =	sdelay $0x3  }
0x37: {  	[smem:$0x3FAE] =	sst s10  }
0x38: {  	s10 =	sld [smem:$0x3FAF]  }
0x39: {  	_ = 	snop;
	(pc) =	sbr.ind lr, $3  }
0x3a: {  	_ = 	snop  }
0x3b: {  	_ = 	snop  }
0x3c: {  	p2 =	seq.s32 s10, $0x1;
	s10 =	sld [smem:$0x3FAE]  }
0x3d: {  	_ =	shalt  }
0x3e: {  	_ =	shalt  }
0x3f: {  	_ =	shalt  }
0x40: {  	_ =	shalt  }
0x41: {  	_ =	shalt  }
0x42: {  	_ =	shalt  }
0x43: {  	_ =	shalt  }
0x44: {  	_ =	shalt  }
0x45: {  	_ =	shalt  }
0x46: {  	_ =	shalt  }
0x47: {  	_ =	shalt  }
0x48: {  	_ =	shalt  }
0x49: {  	_ =	shalt  }
0x4a: {  	_ =	shalt  }
0x4b: {  	_ =	shalt  }
0x4c: {  	_ =	shalt  }
0x4d: {  	_ =	shalt  }
0x4e: {  	_ =	shalt  }
0x4f: {  	_ =	shalt  }
0x50: {  	_ =	shalt  }
0x51: {  	_ =	shalt  }
0x52: {  	_ =	shalt  }
0x53: {  	_ =	shalt  }
0x54: {  	_ =	shalt  }
0x55: {  	_ =	shalt  }
0x56: {  	_ =	shalt  }
0x57: {  	_ =	shalt  }
0x58: {  	_ =	shalt  }
0x59: {  	_ =	shalt  }
0x5a: {  	_ =	shalt  }
0x5b: {  	_ =	shalt  }
0x5c: {  	_ =	shalt  }
0x5d: {  	_ =	shalt  }
0x5e: {  	_ =	shalt  }
0x5f: {  	_ =	shalt  }
0x60: {  	_ =	shalt  }
0x61: {  	_ =	shalt  }
0x62: {  	_ =	shalt  }
0x63: {  	_ =	shalt  }
0x64: {  	_ =	shalt  }
0x65: {  	_ =	shalt  }
0x66: {  	_ =	shalt  }
0x67: {  	_ =	shalt  }
0x68: {  	_ =	shalt  }
0x69: {  	_ =	shalt  }
0x6a: {  	_ =	shalt  }
0x6b: {  	_ =	shalt  }
0x6c: {  	_ =	shalt  }
0x6d: {  	_ =	shalt  }
0x6e: {  	_ =	shalt  }
0x6f: {  	_ =	shalt  }
0x70: {  	_ =	shalt  }
0x71: {  	_ =	shalt  }
0x72: {  	_ =	shalt  }
0x73: {  	_ =	shalt  }
0x74: {  	_ =	shalt  }
0x75: {  	_ =	shalt  }
0x76: {  	_ =	shalt  }
0x77: {  	_ =	shalt  }
0x78: {  	_ =	shalt  }
0x79: {  	_ =	shalt  }
0x7a: {  	_ =	shalt  }
0x7b: {  	_ =	shalt  }
0x7c: {  	_ =	shalt  }
0x7d: {  	_ =	shalt  }
0x7e: {  	_ =	shalt  }
0x7f: {  	_ =	shalt  }
0x80: {  	_ =	shalt  }
0x81: {  	_ =	shalt  }
0x82: {  	_ =	shalt  }
0x83: {  	_ =	shalt  }
0x84: {  	_ =	shalt  }
0x85: {  	_ =	shalt  }
0x86: {  	_ =	shalt  }
0x87: {  	_ =	shalt  }
.Lfunc_end0:
.L_simem_size_0:
called_computation.1_lowered:
.L_overlay_start_0:
0x88: {  	s2 =	sld [smem:$0x3FD9]  }
0x89: {  	s3 =	sld [smem:$0x3FFE];
	_ =	sdelay $0x1  }
0x8a: {  	s1 =	srdreg.scid  }
0x8b: {  	s0 =	sand.u32 $0x1, s1  }
0x8c: {  	s17 =	sshll.u32 s0, $0xA;
	s2 =	sadd.s32 s3, s2  }
0x8d: {  	s2 =	sadd.s32 s2, s17  }
0x8e: {  	[smem:$0x3FBA] =	sst s2  }
0x8f: {  	_ = 	snop  }
0x90: {  	(tm) =	ssettm $0x1  }
0x91: {  	s18 =	sld [smem:$0x3FFB];
	_ =	sdelay $0x3  }
0x92: {  	_ =	strace s18  }
0x93: {  	s2 =	sld [smem:$0x3FFC];
	_ =	sdelay $0x3  }
0x94: {  	_ =	strace s2  }
0x95: {  	s2 =	sld [smem:$0x3FFD];
	_ =	sdelay $0x3  }
0x96: {  	_ =	strace s2  }
0x97: {  	_ =	strace $0x8FFFFFFF  }
0x98: {  	s19 =	sld [smem:$0x3FDB];
	_ =	sdelay $0x1  }
0x99: {  	s20 =	simm.s32 $_scs_section_size  }
0x9a: {  	s4 =	simm.s32 $_size__tile_overlayer_lowered;
	s5 =	simm.s32 $_tile_overlayer_lowered  }
0x9b: {  	s6 =	simm.s32 $0x1BFF;
	s21 =	sshll.u32 s5, $0x1;
	s3 =	sadd.s32 s20, s19  }
0x9c: {  	s22 =	simm.s32 $0x0;
	s4 =	sshll.u32 s4, $0x1;
	s5 =	sadd.s32 s21, s3  }
0x9d: {  	[timem:s22], [sflag:s6] =	dma.local [hbm:s5], s4  }
0x9e: {  	_ =	swait.ge [sflag:s6], s4  }
0x9f: {  	s4 =	ssub.s32 $0x0, s4;
	[sflag:s6] =	ssyncset.done $0x0  }
0xa0: {  	[sflag:s6] =	ssyncadd.s32 s4;
	_ =	sdelay $0x1  }
0xa1: {  	s23 =	simm.s32 $0x1B8B  }
0xa2: {  	_ =	swait.ge [sflag:s23], $0x1  }
0xa3: {  	[sflag:s23] =	ssyncset.done $0x0  }
0xa4: {  	[sflag:s23] =	ssyncadd.s32 $0xFFFFFFFF  }
0xa5: {  	s4 =	sld [smem:$0x0]  }
0xa6: {  	s5 =	sand.u32 $0xFFFFFFFE, s1  }
0xa7: {  	p0 =	sne.s32 s1, s5  }
0xa8: {  	s5 =	sshll.u32 @p0 s5, $0xE  }
0xa9: {  	s5 =	sadd.s32 @p0 $0x11B8D, s5;
	s6 =	sshll.u32 @p0 s4, $0x11  }
0xaa: {  	s5 =	sor.u32 @p0 s6, s5  }
0xab: {  	[sflag:s5] =	ssyncadd.remote.s32 @p0 $0x1;
	_ =	sdelay $0x1  }
0xac: {  	s5 =	simm.s32 @p0 $0x1B8D  }
0xad: {  	_ =	swait.eq @p0 [sflag:s5], $0x1  }
0xae: {  	[sflag:s5] =	ssyncadd.s32 @p0 $0xFFFFFFFF  }
0xaf: {  	s6 =	sshll.u32 @!p0 s1, $0xE  }
0xb0: {  	s6 =	sor.u32 @!p0 $0x4000, s6;
	s5 =	simm.s32 @!p0 $0x1B8D  }
0xb1: {  	s4 =	sshll.u32 @!p0 s4, $0x11;
	s6 =	sadd.s32 @!p0 $0x11B8D, s6;
	_ =	swait.eq @!p0 [sflag:s5], $0x1  }
0xb2: {  	s4 =	sor.u32 @!p0 s4, s6;
	[sflag:s5] =	ssyncadd.s32 @!p0 $0xFFFFFFFF  }
0xb3: {  	s25 =	simm.s32 $0x1B8E;
	s24 =	sld [smem:$0x3FFE];
	[sflag:s4] =	ssyncadd.remote.s32 @!p0 $0x1  }
0xb4: {  	s26 =	simm.s32 $execute0_lowered;
	[smem:$0x3FD2] =	sst s25  }
0xb5: {  	s5 =	sshll.u32 s26, $0x1;
	_ =	strace $0x80000049;
	[dreg:$0x1] =	wrdreg $0xFFFFFFFF  }
0xb6: {  	s28 =	simm.s32 $_size_execute0_lowered;
	s3 =	sadd.s32 s3, s5;
	[dreg:$0x0] =	wrdreg $0x0  }
0xb7: {  	s5 =	sshll.u32 s28, $0x1;
	[dreg:$0x2] =	wrdreg s3  }
0xb8: {  	[dreg:$0x3] =	wrdreg s5  }
0xb9: {  	[dreg:$0x4] =	wrdreg $0xC0  }
0xba: {  	_ =	task [dreg:s22], $0x5FFFF  }
0xbb: {  	[dreg:$0x1] =	wrdreg $0xFFFFFFFF  }
0xbc: {  	[dreg:$0x0] =	wrdreg $0x60  }
0xbd: {  	[dreg:$0x2] =	wrdreg s24  }
0xbe: {  	[dreg:$0x3] =	wrdreg $0x58000  }
0xbf: {  	[dreg:$0x4] =	wrdreg $0xA  }
0xc0: {  	_ =	task.clear_ibuf [dreg:s22], $0x5FFFF;
	_ =	strace $0x90000049  }
0xc1: {  	s29 =	simm.s32 $0xA;
	_ =	strace $0x8000004B  }
0xc2: {  	_ =	swait.ge [sflag:s29], $0x1  }
0xc3: {  	[sflag:s29] =	ssyncadd.s32 $0xFFFFFFFF  }
0xc4: {  	_ =	strace $0x9000004B  }
0xc5: {  	_ =	sfence  }
0xc6: {  	s30 =	sld [smem:$0x0];
	_ =	sdelay $0x2  }
0xc7: {  	s31 =	sshll.u32 s1, $0xD;
	s1 =	sshrl.u32 s1, $0x2  }
0xc8: {  	s4 =	sand.u32 $0x4000, s31;
	s1 =	sadd.s32 s1, s30  }
0xc9: {  	s0 =	sor.u32 s4, s0;
	s1 =	sshll.u32 s1, $0x11  }
0xca: {  	s0 =	sor.u32 s1, s0  }
0xcb: {  	s0 =	sadd.s32 $0x8F2B, s0  }
0xcc: {  	[sflag:s0] =	ssyncadd.remote.s32 $0x1  }
0xcd: {  	_ =	sfence.sel $0xFFFF  }
0xce: {  	[dreg:$0x0] =	wrdreg $0xFFFFFFFF;
	(pc) =	sbr.abs _section_cstart, $3  }
0xcf: {  	[dreg:$0x1] =	wrdreg $0xFFFFFFFF  }
0xd0: {  	_ =	task.clear_ibuf [dreg:s22], $0x2FFFF;
	_ =	strace $0x9FFFFFFF  }
0xd1: {  	(tm) =	ssettm $0x7FFFFFFF  }
tec
execute0_lowered:
.L_overlay_start_1:
0x0: {  	(tag) =	ssettag $0x1  }
0x1: {  	s5 =	rddreg [dreg:$0x0]  }
0x2: {  	s0 =	srdreg.scid;
	s2 =	rddreg [dreg:$0x1]  }
0x3: {  	s10 =	simm.s32 $0x80;
	s11 =	simm.s32 $0x400;
	s12 =	simm.s32 $0x50  }
0x4: {  	s13 =	simm.s32 $0x2780;
	s4 =	sand.u32 $0x1, s0;
	s0 =	stileid.u32  }
0x5: {  	s14 =	simm.s32 $0x2800;
	s1 =	sshll.u32 s4, $0x4;
	s8 =	smul.u32 $0x2800, s0  }
0x6: {  	s15 =	simm.s32 $0x0;
	s29 =	smul.u32 $0x28000, s4;
	s3 =	sor.u32 s0, s1  }
0x7: {  	s7 =	sshll.u32 s0, $0x7;
	s9 =	smul.u32 $0x50000, s0;
	s6 =	sshrl.u32 s3, $0x3  }
0x8: {  	s4 =	ssub.s32 $0x2, s4;
	s1 =	rddreg [dreg:$0x2];
	s6 =	smul.u32 $0x13C00, s6  }
0x9: {  	s7 =	sand.u32 $0x380, s7;
	s30 =	sshrl.u32 s4, $0x1;
	s3 =	simm.s32 $0x0  }
0xa: {  	s31 =	sshrl.u32 s9, $0x2;
	[smem:$0x7FF] =	sst s3;
	s6 =	sor.u32 s7, s6  }
0xb: {  	s9 =	simm.s32 $0x1;
	_ =	strace $0x8000004A;
	s6 =	sshrl.u32 s6, $0x3  }
0xc: {  	s7 =	sadd.s32 s8, s29;
	s8 =	ssub.s32 s4, s30;
	s6 =	sadd.s32 s6, s5  }
0xd: {  	s4 =	sadd.s32 s31, s2;
	s7 =	sadd.s32 s7, s5;
	s5 =	sadd.s32 $0x1600, s6  }
0xe: {  	v0 =	vimm.f32 $1.000000000e+00;
	v1 =	vimm.f32 $0.0e+00;
	s6 =	sadd.s32 $0x8C400, s7;
	s7 =	smax.u32 s8, $0x1;
	s8 =	simm.s32 $0x5000  }
.LBB2_1:
0xf: {  	s16 =	sand.u32 $0xFE00, s3  }
0x10: {  	s18 =	sand.u32 $0x70, s3;
	s16 =	sshrl.u32 s16, $0x2  }
0x11: {  	s17 =	simm.s32 $0x40;
	s19 =	sor.u32 s18, s16;
	s18 =	simm.s32 $0x0  }
.LBB2_2:
0x12: {  	p0 =	sne.s32 s17, $0x9FC0  }
0x13: {  	[tilespmem:s19+$0x2800] =	vst v0;
	s18 =	sadd.s32 $0x10, s18;
	s16 =	smov.u32 s17;
	s17 =	sadd.s32 $0x40, s17  }
.Ltmp0:
0x14: {  	(pc) =	sbr.rel @p0 .LBB2_2-.Ltmp0, $4  }
0x15: {  	_ = 	snop  }
0x16: {  	s16 =	sand.u32 $0xFE00, s16  }
0x17: {  	s19 =	sand.u32 $0x70, s18;
	s16 =	sshrl.u32 s16, $0x2  }
0x18: {  	s19 =	sor.u32 s19, s16;
	s16 =	simm.s32 $0x0  }
0x19: {  	s17 =	sand.u32 $0x1E00, s16  }
0x1a: {  	s18 =	sand.u32 $0x70, s16;
	s20 =	sshrl.u32 s17, $0x2  }
0x1b: {  	[tilespmem:s19+$0x2800] =	vst v0;
	s17 =	simm.s32 $0x40;
	s18 =	sor.u32 s18, s20  }
.LBB2_4:
0x1c: {  	p0 =	sne.s32 s17, $0x1FC0  }
0x1d: {  	[tilespmem:s18+$0x5000] =	vst v1;
	s16 =	sadd.s32 $0x10, s16;
	s18 =	smov.u32 s17;
	s17 =	sadd.s32 $0x40, s17  }
.Ltmp1:
0x1e: {  	(pc) =	sbr.rel @p0 .LBB2_4-.Ltmp1, $4  }
0x1f: {  	_ = 	snop  }
0x20: {  	s18 =	sand.u32 $0x1E00, s18  }
0x21: {  	s19 =	sand.u32 $0x70, s16;
	s18 =	sshrl.u32 s18, $0x2  }
0x22: {  	s18 =	sor.u32 s19, s18  }
0x23: {  	[tilespmem:s18+$0x5000] =	vst v1;
	s16 =	sadd.s32 $0x0, s4  }
0x24: {  	[spmem:s16] =	stream.linear.scatter [tilespmem:s8], [sflag:$0x1], $0x800, $0x38;
	[tilespmem:$0x19800] =	vst v63  }
0x25: {  	s16 =	simm.s32 $0x2000;
	_ =	swait.ge [sflag:s9], $0x800  }
.LBB2_6:
0x26: {  	s17 =	sshra.s32 s16, $0x2;
	[sflag:s9] =	ssyncset.done $0x0;
	p0 =	sne.s32 s16, $0x4E000  }
.Ltmp2:
0x27: {  	s17 =	sadd.s32 s17, s4;
	[sflag:s9] =	ssyncadd.s32 $0xFFFFF800;
	(pc) =	sbr.rel @p0 .LBB2_6-.Ltmp2, $3  }
0x28: {  	[spmem:s17] =	stream.linear.scatter [tilespmem:s8], [sflag:$0x1], $0x800, $0x38;
	[tilespmem:$0x19800] =	vst v63  }
0x29: {  	s16 =	sadd.s32 $0x2000, s16;
	_ =	sdelay $0x1  }
0x2a: {  	_ =	swait.ge [sflag:s9], $0x800  }
0x2b: {  	[sflag:s9] =	ssyncset.done $0x0  }
0x2c: {  	s16 =	simm.s32 $0x0;
	[sflag:s9] =	ssyncadd.s32 $0xFFFFF800  }
0x2d: {  	[tilespmem:s16], [sflag:$0x1] =	stream.strided.gather [hbm4b:s5+s10], $0x2780, s11, s10, $0x38;
	[tilespmem:$0x19800] =	vst v63  }
0x2e: {  	_ =	swait.ge [sflag:s9], $0x2780  }
0x2f: {  	[sflag:s9] =	ssyncset.done $0x0  }
0x30: {  	[sflag:s9] =	ssyncadd.s32 $0xFFFFD880  }
0x31: {  	s31 =	simm.s32 $0x0;
	[bflag:$0x0] =	sbarrier.arrive $0xFFFF  }
0x32: {  	v2 =	vld [tilespmem:s31+$0x0];
	_ =	sdelay $0x4  }
0x33: {  	[tilespmem:$0x2780] =	vst v2  }
0x34: {  	v2 =	vld [tilespmem:s31+$0x10];
	_ =	sdelay $0x4  }
0x35: {  	[tilespmem:$0x2790] =	vst v2  }
0x36: {  	v2 =	vld [tilespmem:s31+$0x20];
	_ =	sdelay $0x4  }
0x37: {  	[tilespmem:$0x27A0] =	vst v2  }
0x38: {  	v2 =	vld [tilespmem:s31+$0x30];
	_ =	sdelay $0x4  }
0x39: {  	[tilespmem:$0x27B0] =	vst v2  }
0x3a: {  	v2 =	vld [tilespmem:s31+$0x40];
	_ =	sdelay $0x4  }
0x3b: {  	[tilespmem:$0x27C0] =	vst v2  }
0x3c: {  	[spmem:s2] =	stream.indirect.scatter.add.f32 [tilespmem:s14], [sflag:$0x1], $0x80, s13, s12, $0xb8;
	[tilespmem:$0x19800] =	vst v63  }
0x3d: {  	_ =	swait.ge [sflag:s9], $0x2800  }
0x3e: {  	s17 =	simm.s32 $0x280;
	s16 =	simm.s32 $0x140;
	[sflag:s9] =	ssyncset.done $0x0  }
.LBB2_8:
0x3f: {  	s18 =	sshra.s32 s16, $0x2  }
0x40: {  	[sflag:s9] =	ssyncadd.s32 $0xFFFFD800;
	s16 =	smov.u32 s17;
	s19 =	sadd.s32 $0x140, s17  }
0x41: {  	p0 =	sne.s32 s17, $0x9B00;
	v2 =	vld [tilespmem:s18+$0x0];
	_ =	sdelay $0x4  }
0x42: {  	[tilespmem:$0x2780] =	vst v2  }
0x43: {  	v2 =	vld [tilespmem:s18+$0x10];
	_ =	sdelay $0x4  }
0x44: {  	[tilespmem:$0x2790] =	vst v2  }
0x45: {  	v2 =	vld [tilespmem:s18+$0x20];
	_ =	sdelay $0x4  }
0x46: {  	[tilespmem:$0x27A0] =	vst v2  }
0x47: {  	v2 =	vld [tilespmem:s18+$0x30];
	_ =	sdelay $0x4  }
0x48: {  	[tilespmem:$0x27B0] =	vst v2  }
0x49: {  	v2 =	vld [tilespmem:s18+$0x40];
	_ =	sdelay $0x3  }
.Ltmp3:
0x4a: {  	(pc) =	sbr.rel @p0 .LBB2_8-.Ltmp3, $4  }
0x4b: {  	[tilespmem:$0x27C0] =	vst v2  }
0x4c: {  	[spmem:s2] =	stream.indirect.scatter.add.f32 [tilespmem:s14], [sflag:$0x1], $0x80, s13, s12, $0xb8;
	[tilespmem:$0x19800] =	vst v63  }
0x4d: {  	_ =	swait.ge [sflag:s9], $0x2800  }
0x4e: {  	s17 =	smov.u32 s19;
	[sflag:s9] =	ssyncset.done $0x0  }
0x4f: {  	s16 =	sshra.s32 s16, $0x2;
	[sflag:s9] =	ssyncadd.s32 $0xFFFFD800  }
0x50: {  	v2 =	vld [tilespmem:s16+$0x0];
	_ =	sdelay $0x4  }
0x51: {  	[tilespmem:$0x2780] =	vst v2  }
0x52: {  	v2 =	vld [tilespmem:s16+$0x10];
	_ =	sdelay $0x4  }
0x53: {  	[tilespmem:$0x2790] =	vst v2  }
0x54: {  	v2 =	vld [tilespmem:s16+$0x20];
	_ =	sdelay $0x4  }
0x55: {  	[tilespmem:$0x27A0] =	vst v2  }
0x56: {  	v2 =	vld [tilespmem:s16+$0x30];
	_ =	sdelay $0x4  }
0x57: {  	[tilespmem:$0x27B0] =	vst v2  }
0x58: {  	v2 =	vld [tilespmem:s16+$0x40];
	_ =	sdelay $0x4  }
0x59: {  	[tilespmem:$0x27C0] =	vst v2  }
0x5a: {  	[spmem:s2] =	stream.indirect.scatter.add.f32 [tilespmem:s14], [sflag:$0x1], $0x80, s13, s12, $0xb8;
	[tilespmem:$0x19800] =	vst v63  }
0x5b: {  	_ =	swait.ge [sflag:s9], $0x2800  }
0x5c: {  	s31 =	sshll.u32 s0, $0x6;
	s15 =	sadd.s32 $0x1, s15;
	[sflag:s9] =	ssyncset.done $0x0  }
0x5d: {  	s17 =	sshrl.u32 s4, $0x3;
	p0 =	sne.s32 s15, s7;
	[sflag:s9] =	ssyncadd.s32 $0xFFFFD800  }
.Ltmp4:
0x5e: {  	s16 =	sor.u32 $0x1C01, s31;
	[bflag:$0x0] =	sbarrier.arrive $0xFFFF;
	(pc) =	sbr.rel @p0 .LBB2_1-.Ltmp4, $4  }
0x5f: {  	[hbm:s6], [sflag:s16] =	dma.local [spmem:s17], $0x2800  }
0x60: {  	_ =	swait.ge [sflag:s9], $0x2800  }
0x61: {  	[sflag:s9] =	ssyncset.done $0x0  }
0x62: {  	[sflag:s9] =	ssyncadd.s32 $0xFFFFD800  }
0x63: {  	_ =	sfence.sel $0x180000  }
0x64: {  	[bflag:$0x0] =	sbarrier.arrive $0xFFFF  }
0x65: {  	p0 =	sne.s32 s0, $0x0;
	_ =	strace $0x9000004A  }
0x66: {  	s0 =	sadd.s32 @!p0 $0x100000, s1;
	[bflag:$0x2] =	sbarrier.arrive $0xFFFF  }
0x67: {  	[sflag:s0] =	ssyncadd.tile.s32 @!p0 $0x1;
	_ =	shalt  }
.Lfunc_end2:
_tile_overlayer_lowered:
.L_overlay_start_2:
0x68: {  	(tag) =	ssettag $0x2  }
0x69: {  	s0 =	rddreg [dreg:$0x0];
	s2 =	stileid.u32  }
0x6a: {  	s1 =	rddreg [dreg:$0x1];
	p0 =	sne.s32 s2, $0x0  }
0x6b: {  	s3 =	rddreg [dreg:$0x2];
	[bflag:$0x3] =	sbarrier.arrive $0xFFFF;
	s2 =	simm.s32 @!p0 $0x1C01  }
0x6c: {  	[timem:s3], [sflag:s2] =	dma.local @!p0 [hbm:s0], s1  }
0x6d: {  	s0 =	simm.s32 @!p0 $0x1  }
0x6e: {  	_ =	swait.ge @!p0 [sflag:s0], s1  }
0x6f: {  	s1 =	ssub.s32 @!p0 $0x0, s1;
	[sflag:s0] =	ssyncset.done @!p0 $0x0  }
0x70: {  	[sflag:s0] =	ssyncadd.s32 @!p0 s1  }
0x71: {  	[bflag:$0x3] =	sbarrier.arrive $0xFFFF  }
0x72: {  	_ =	shalt  }

</sc_bundles>
